<compile_context>
chip_gen: v7x
topology: tpu7x:2x2x1
jax: 0.10.2.dev20260603
libtpu: 0.0.44.dev20260713+nightly
codegen_flags: <defaults>
</compile_context>

<pallas_src>
import jax
import jax.numpy as jnp
from jax import lax
from jax.experimental import pallas as pl
from jax.experimental.pallas import tpu as pltpu
from jax.experimental.pallas import tpu_sc as plsc

EPS = 1.1920929e-07
LOG_BASE = 9.210340371976184
S = 2048
D = 768
H = 12
DK = 64
E = 8
F = 2048
TQ = 512
T1 = 256
TS = 128
NPAIR = 2 * S
NSLOT = NPAIR + E * TS
NT = NSLOT // TS
NWORK = 32
PPW = NPAIR // NWORK
NEG = -1e30

bf16 = jnp.bfloat16
f32 = jnp.float32


def _rope2(x, cc, ss):
    partner = jnp.concatenate(
        [x[:, 32:64], x[:, :32], x[:, 96:128], x[:, 64:96]], axis=-1)
    return x * cc + partner * ss


def _gelu(x):
    return 0.5 * x * (1.0 + jax.lax.erf(x * 0.7071067811865476))



def _qkv_kernel(x_ref, n1_ref, w_ref, o_ref, tab_ref):
    x = x_ref[...]
    h = x * jax.lax.rsqrt(jnp.mean(x * x, axis=-1, keepdims=True) + EPS) * n1_ref[...]
    o_ref[...] = jax.lax.dot_general(
        h.astype(bf16), w_ref[...], (((1,), (1,)), ((), ())),
        preferred_element_type=f32).astype(bf16)
    pos = (pl.program_id(0) * T1
           + jax.lax.broadcasted_iota(jnp.int32, (T1, 32), 0)).astype(f32)
    fidx = jax.lax.broadcasted_iota(jnp.int32, (T1, 32), 1).astype(f32)
    ang = pos * jnp.exp(fidx * (-LOG_BASE / 32.0))
    c = jnp.cos(ang)
    sn = jnp.sin(ang)
    tab_ref[...] = jnp.concatenate([c, c, c, c, -sn, sn, -sn, sn], axis=-1)


def _run_qkv(xs, n1, wqkv_bf):
    return pl.pallas_call(
        _qkv_kernel,
        grid=(S // T1,),
        in_specs=[
            pl.BlockSpec((T1, D), lambda i: (i, 0)),
            pl.BlockSpec((1, D), lambda i: (0, 0)),
            pl.BlockSpec((3 * D, D), lambda i: (0, 0)),
        ],
        out_specs=[
            pl.BlockSpec((T1, 3 * D), lambda i: (i, 0)),
            pl.BlockSpec((T1, 256), lambda i: (i, 0)),
        ],
        out_shape=[
            jax.ShapeDtypeStruct((S, 3 * D), bf16),
            jax.ShapeDtypeStruct((S, 256), f32),
        ],
        compiler_params=pltpu.CompilerParams(
            dimension_semantics=("arbitrary",)),
    )(xs, n1, wqkv_bf)



TK = 512


def _attn_kernel(q_ref, k_ref, v_ref, tq_ref, tk_ref, o_ref, kr_ref):
    qt = pl.program_id(1)

    @pl.when(qt == 0)
    def _():
        k = k_ref[...].astype(f32)
        tk = tk_ref[...]
        kr_ref[...] = _rope2(k, tk[:, :128], tk[:, 128:]).astype(bf16)

    tq = tq_ref[...]
    q = _rope2(q_ref[...].astype(f32), tq[:, :128], tq[:, 128:]).astype(bf16)
    q0 = q[:, :DK]
    q1 = q[:, DK:]
    row = qt * TQ + jax.lax.broadcasted_iota(jnp.int32, (TQ, TK), 0)
    colb = jax.lax.broadcasted_iota(jnp.int32, (TQ, TK), 1)

    def body(kt, carry):
        o0, o1, l0, l1 = carry
        kc = kr_ref[pl.ds(kt * TK, TK), :]
        vc = v_ref[pl.ds(kt * TK, TK), :]
        col = kt * TK + colb

        def one(qh, hs):
            sc = jax.lax.dot_general(
                qh, kc[:, hs:hs + DK], (((1,), (1,)), ((), ())),
                preferred_element_type=f32)
            p = jnp.exp(jnp.where(col <= row, sc * 0.125 - 20.0, NEG))
            o = jax.lax.dot_general(
                p.astype(bf16), vc[:, hs:hs + DK], (((1,), (0,)), ((), ())),
                preferred_element_type=f32)
            return o, jnp.sum(p, axis=-1, keepdims=True)

        a0, b0 = one(q0, 0)
        a1, b1 = one(q1, DK)
        return o0 + a0, o1 + a1, l0 + b0, l1 + b1

    z = jnp.zeros((TQ, DK), f32)
    zl = jnp.zeros((TQ, 1), f32)
    o0, o1, l0, l1 = jax.lax.fori_loop(
        0, qt // (TK // TQ) + 1, body, (z, z, zl, zl))
    o_ref[...] = jnp.concatenate([o0 / l0, o1 / l1], axis=-1).astype(bf16)


def _run_attn(qkv, tab):
    return pl.pallas_call(
        _attn_kernel,
        grid=(H // 2, S // TQ),
        in_specs=[
            pl.BlockSpec((TQ, 2 * DK), lambda h, qt: (qt, h)),
            pl.BlockSpec((S, 2 * DK), lambda h, qt: (0, H // 2 + h)),
            pl.BlockSpec((S, 2 * DK), lambda h, qt: (0, H + h)),
            pl.BlockSpec((TQ, 256), lambda h, qt: (qt, 0)),
            pl.BlockSpec((S, 256), lambda h, qt: (0, 0)),
        ],
        out_specs=pl.BlockSpec((TQ, 2 * DK), lambda h, qt: (qt, h)),
        out_shape=jax.ShapeDtypeStruct((S, D), bf16),
        scratch_shapes=[pltpu.VMEM((S, 2 * DK), bf16)],
        compiler_params=pltpu.CompilerParams(
            dimension_semantics=("arbitrary", "arbitrary")),
    )(qkv, qkv, qkv, tab, tab)



def _post_kernel(x_ref, ao_ref, wo_ref, n2_ref, rw_ref,
                 x2_ref, hf_ref, tw_ref, dest_ref, te_ref, aux_ref,
                 ps_ref, tia_ref):
    tt = pl.program_id(0)
    x2 = x_ref[...] + jax.lax.dot_general(
        ao_ref[...], wo_ref[...], (((1,), (1,)), ((), ())),
        preferred_element_type=f32)
    x2_ref[...] = x2
    hf = x2 * jax.lax.rsqrt(jnp.mean(x2 * x2, axis=-1, keepdims=True) + EPS) * n2_ref[...]
    hf_ref[...] = hf
    logits = jax.lax.dot_general(hf, rw_ref[...], (((1,), (1,)), ((), ())),
                                 preferred_element_type=f32)
    colf = jax.lax.broadcasted_iota(jnp.int32, (T1, E), 1)
    m = jnp.max(logits, axis=-1, keepdims=True)
    p = jnp.exp(logits - m)
    probs = p / jnp.sum(p, axis=-1, keepdims=True)

    @pl.when(tt == 0)
    def _():
        ps_ref[...] = jnp.zeros_like(ps_ref)

    ps_ref[...] += jnp.sum(probs, axis=0, keepdims=True)

    @pl.when(tt == pl.num_programs(0) - 1)
    def _():
        mp = ps_ref[...] / jnp.float32(S)
        aux_ref[...] = jnp.sum(mp * mp, axis=-1, keepdims=True) * jnp.float32(E)

    m1 = jnp.max(probs, axis=-1, keepdims=True)
    i1 = jnp.min(jnp.where(probs == m1, colf, E), axis=-1, keepdims=True)
    probs2 = jnp.where(colf == i1, -1.0, probs)
    m2 = jnp.max(probs2, axis=-1, keepdims=True)
    i2 = jnp.min(jnp.where(probs2 == m2, colf, E), axis=-1, keepdims=True)
    tot = m1 + m2
    w1 = m1 / tot
    w2 = m2 / tot
    tw_ref[...] = (jnp.where(colf == 0, w1, 0.0)
                   + jnp.where(colf == 1, w2, 0.0))
    tia_ref[pl.ds(tt * T1, T1), :] = (jnp.where(colf == 0, i1, 0)
                                      + jnp.where(colf == 1, i2, 0))

    @pl.when(tt == pl.num_programs(0) - 1)
    def _():
        _meta_compute(tia_ref[...], dest_ref, te_ref)


def _run_post(xs, ao, wout_bf, n2, rw):
    return pl.pallas_call(
        _post_kernel,
        grid=(S // T1,),
        in_specs=[
            pl.BlockSpec((T1, D), lambda i: (i, 0)),
            pl.BlockSpec((T1, D), lambda i: (i, 0)),
            pl.BlockSpec((D, D), lambda i: (0, 0)),
            pl.BlockSpec((1, D), lambda i: (0, 0)),
            pl.BlockSpec((E, D), lambda i: (0, 0)),
        ],
        out_specs=[
            pl.BlockSpec((T1, D), lambda i: (i, 0)),
            pl.BlockSpec((T1, D), lambda i: (i, 0)),
            pl.BlockSpec((T1, E), lambda i: (i, 0)),
            pl.BlockSpec((S, E), lambda i: (0, 0)),
            pl.BlockSpec((64, E), lambda i: (0, 0)),
            pl.BlockSpec((1, 1), lambda i: (0, 0)),
        ],
        out_shape=[
            jax.ShapeDtypeStruct((S, D), f32),
            jax.ShapeDtypeStruct((S, D), f32),
            jax.ShapeDtypeStruct((S, E), f32),
            jax.ShapeDtypeStruct((S, E), jnp.int32),
            jax.ShapeDtypeStruct((64, E), jnp.int32),
            jax.ShapeDtypeStruct((1, 1), f32),
        ],
        scratch_shapes=[pltpu.VMEM((1, E), f32),
                        pltpu.VMEM((S, E), jnp.int32)],
        compiler_params=pltpu.CompilerParams(
            dimension_semantics=("arbitrary",)),
    )(xs, ao, wout_bf, n2, rw)



def _cumsum(x, axis):
    n = x.shape[axis]
    k = 1
    while k < n:
        if axis == 0:
            pad = jnp.zeros((k, x.shape[1]), x.dtype)
            x = x + jnp.concatenate([pad, x[:-k]], axis=0)
        else:
            pad = jnp.zeros((x.shape[0], k), x.dtype)
            x = x + jnp.concatenate([pad, x[:, :-k]], axis=1)
        k *= 2
    return x


def _meta_compute(ti, dest_ref, te_ref):
    col = jax.lax.broadcasted_iota(jnp.int32, (S, E), 1)
    i1 = ti[:, 0:1]
    i2 = ti[:, 1:2]
    oh1 = jnp.where(col == i1, 1, 0)
    oh2 = jnp.where(col == i2, 1, 0)
    c1 = _cumsum(oh1, 0)
    c2 = _cumsum(oh2, 0)
    cnt1 = c1[S - 1:S, :]
    cnt = cnt1 + c2[S - 1:S, :]
    padded = ((cnt + (TS - 1)) // TS) * TS
    offs = _cumsum(padded, 1) - padded
    d0 = jnp.sum(oh1 * (offs + c1 - 1), axis=1, keepdims=True)
    d1 = jnp.sum(oh2 * (offs + cnt1 + c2 - 1), axis=1, keepdims=True)
    dest_ref[...] = jnp.where(col == 0, d0, 0) + jnp.where(col == 1, d1, 0)
    rcol = jax.lax.broadcasted_iota(jnp.int32, (64, E), 1)
    rrow = jax.lax.broadcasted_iota(jnp.int32, (64, E), 0)
    ge = jnp.where(rrow * TS >= offs, 1, 0)
    te = jnp.sum(ge, axis=1, keepdims=True) - 1
    te_ref[...] = jnp.where(rcol == 0, te, 0)



def _sc_mesh():
    return plsc.VectorSubcoreMesh(core_axis_name="c", subcore_axis_name="s")


HPW = PPW // 2


def _dispatch_body(hf_hbm, dest_hbm, out_hbm, idx_a, idx_b,
                   rows_a, rows_b, sem_a, sem_b):
    wid = lax.axis_index("s") * 2 + lax.axis_index("c")
    base = wid * PPW
    tok = lax.rem(base, S)
    pltpu.sync_copy(dest_hbm.at[pl.ds(base, HPW)], idx_a)
    pltpu.sync_copy(dest_hbm.at[pl.ds(base + HPW, HPW)], idx_b)
    pltpu.sync_copy(hf_hbm.at[pl.ds(tok, HPW)], rows_a)
    ca = pltpu.async_copy(rows_a, out_hbm.at[idx_a], sem_a)
    pltpu.sync_copy(hf_hbm.at[pl.ds(tok + HPW, HPW)], rows_b)
    cb = pltpu.async_copy(rows_b, out_hbm.at[idx_b], sem_b)
    ca.wait()
    cb.wait()


def _run_dispatch(hf, dest_flat):
    k = pl.kernel(
        _dispatch_body,
        mesh=_sc_mesh(),
        out_type=jax.ShapeDtypeStruct((NSLOT, D), f32),
        scratch_types=[
            pltpu.VMEM((HPW,), jnp.int32),
            pltpu.VMEM((HPW,), jnp.int32),
            pltpu.VMEM((HPW, D), f32),
            pltpu.VMEM((HPW, D), f32),
            pltpu.SemaphoreType.DMA,
            pltpu.SemaphoreType.DMA,
        ],
    )
    return k(hf, dest_flat)



def _moe_kernel(te_ref, rows_ref, w1_ref, w2_ref, o_ref, w1c_ref, w2c_ref):
    i = pl.program_id(0)

    @pl.when((i == 0) | (te_ref[i] != te_ref[jnp.maximum(i - 1, 0)]))
    def _():
        w1c_ref[...] = w1_ref[0].astype(bf16)
        w2c_ref[...] = w2_ref[0].astype(bf16)

    rows = rows_ref[...].astype(bf16)
    he = jax.lax.dot_general(rows, w1c_ref[...], (((1,), (1,)), ((), ())),
                             preferred_element_type=f32)
    he = _gelu(he)
    o_ref[...] = jax.lax.dot_general(
        he.astype(bf16), w2c_ref[...], (((1,), (1,)), ((), ())),
        preferred_element_type=f32)


def _run_moe(te, hf_sorted, w1, w2):
    grid_spec = pltpu.PrefetchScalarGridSpec(
        num_scalar_prefetch=1,
        grid=(NT,),
        in_specs=[
            pl.BlockSpec((TS, D), lambda i, te_s: (i, 0)),
            pl.BlockSpec((1, F, D), lambda i, te_s: (te_s[i], 0, 0)),
            pl.BlockSpec((1, D, F), lambda i, te_s: (te_s[i], 0, 0)),
        ],
        out_specs=pl.BlockSpec((TS, D), lambda i, te_s: (i, 0)),
        scratch_shapes=[
            pltpu.VMEM((F, D), bf16),
            pltpu.VMEM((D, F), bf16),
        ],
    )
    return pl.pallas_call(
        _moe_kernel,
        grid_spec=grid_spec,
        out_shape=jax.ShapeDtypeStruct((NSLOT, D), f32),
        compiler_params=pltpu.CompilerParams(
            dimension_semantics=("arbitrary",)),
    )(te, hf_sorted, w1, w2)



def _gather_body(oe_hbm, dest_hbm, out_hbm, idx_v, rows_v, sem):
    wid = lax.axis_index("s") * 2 + lax.axis_index("c")
    base = wid * PPW
    pltpu.sync_copy(dest_hbm.at[pl.ds(base, PPW)], idx_v)
    pltpu.async_copy(oe_hbm.at[idx_v], rows_v, sem).wait()
    pltpu.sync_copy(rows_v, out_hbm.at[pl.ds(base, PPW)])


def _run_gather(oe_sorted, dest_flat):
    k = pl.kernel(
        _gather_body,
        mesh=_sc_mesh(),
        out_type=jax.ShapeDtypeStruct((NPAIR, D), f32),
        scratch_types=[
            pltpu.VMEM((PPW,), jnp.int32),
            pltpu.VMEM((PPW, D), f32),
            pltpu.SemaphoreType.DMA,
        ],
    )
    return k(oe_sorted, dest_flat)



def _combine_kernel(x2_ref, tw_ref, g0_ref, g1_ref, o_ref):
    tw = tw_ref[...]
    o_ref[...] = (x2_ref[...] + tw[:, 0:1] * g0_ref[...]
                  + tw[:, 1:2] * g1_ref[...])


def _run_combine(x2, tw, g01):
    return pl.pallas_call(
        _combine_kernel,
        grid=(S // T1,),
        in_specs=[
            pl.BlockSpec((T1, D), lambda i: (i, 0)),
            pl.BlockSpec((T1, E), lambda i: (i, 0)),
            pl.BlockSpec((T1, D), lambda i: (i, 0)),
            pl.BlockSpec((T1, D), lambda i: (S // T1 + i, 0)),
        ],
        out_specs=pl.BlockSpec((T1, D), lambda i: (i, 0)),
        out_shape=jax.ShapeDtypeStruct((S, D), f32),
        compiler_params=pltpu.CompilerParams(
            dimension_semantics=("arbitrary",)),
    )(x2, tw, g01, g01)



def kernel(x, norm1_w, norm2_w, Wqkv, Wout, router_W, W1, W2):
    xs = x.reshape(S, D)
    n1 = norm1_w.reshape(1, D)
    n2 = norm2_w.reshape(1, D)
    wqkv_bf = Wqkv.astype(bf16)
    wout_bf = Wout.astype(bf16)

    qkv, tab = _run_qkv(xs, n1, wqkv_bf)
    ao = _run_attn(qkv, tab)
    x2, hf, tw, dest2, te2, aux = _run_post(xs, ao, wout_bf, n2, router_W)
    dest_flat = jnp.concatenate([dest2[:, 0], dest2[:, 1]])
    te = te2[:NT, 0]
    hf_sorted = _run_dispatch(hf, dest_flat)
    oe_sorted = _run_moe(te, hf_sorted, W1, W2)
    g01 = _run_gather(oe_sorted, dest_flat)
    out = _run_combine(x2, tw, g01)
    return out.reshape(1, S, D), aux.reshape(())

# --- scband reference (transcript-rebuilt; emitter-appended) ---
"""Pipeline reference for scband-transformer-block-64699387347185 (READ-ONLY COPY).

The authoritative reference and input builder live on the scoring server;
editing this copy changes nothing except your own understanding.
"""

import jax, jax.numpy as jnp
import numpy as np

EPS = 1.1920929e-07
BASE = 10000.0

def _rmsnorm(x, w):
    return x * jax.lax.rsqrt(jnp.mean(x * x, axis=-1, keepdims=True) + EPS) * w

def _rope(x):
    B, S, H, dk = x.shape
    inv_freq = 1.0 / (BASE ** (jnp.arange(0, dk, 2, dtype=jnp.float32) / dk))
    t = jnp.arange(S, dtype=jnp.float32)
    freqs = jnp.outer(t, inv_freq)
    cos = jnp.cos(freqs)[None, :, None, :]
    sin = jnp.sin(freqs)[None, :, None, :]
    x1, x2 = jnp.split(x, 2, axis=-1)
    return jnp.concatenate([x1 * cos - x2 * sin, x2 * cos + x1 * sin], axis=-1)

def _block(x, norm1_w, norm2_w, Wqkv, Wout, router_W, W1, W2, n_heads=12, top_k=2):
    B, S, d = x.shape
    dk = d // n_heads
    E = router_W.shape[0]
    h = _rmsnorm(x, norm1_w)
    qkv = (h @ Wqkv.T).reshape(B, S, 3, n_heads, dk)
    q = _rope(qkv[:, :, 0]).transpose(0, 2, 1, 3)
    k = _rope(qkv[:, :, 1]).transpose(0, 2, 1, 3)
    v = qkv[:, :, 2].transpose(0, 2, 1, 3)
    scores = jnp.einsum('bhqd,bhkd->bhqk', q, k) / jnp.sqrt(jnp.float32(dk))
    mask = jnp.tril(jnp.ones((S, S), dtype=bool))
    scores = jnp.where(mask[None, None], scores, jnp.float32(-1e30))
    attn = jax.nn.softmax(scores, axis=-1)
    ao = jnp.einsum('bhqk,bhkd->bhqd', attn, v).transpose(0, 2, 1, 3).reshape(B, S, d)
    x = x + ao @ Wout.T
    hf = _rmsnorm(x, norm2_w).reshape(-1, d)
    logits = hf @ router_W.T
    probs = jax.nn.softmax(logits, axis=-1)
    tp, ti = jax.lax.top_k(probs, top_k)
    tp = tp / jnp.sum(tp, axis=-1, keepdims=True)
    combine = jnp.sum(jax.nn.one_hot(ti, E, dtype=probs.dtype) * tp[..., None], axis=1)
    he = jax.nn.gelu(jnp.einsum('td,efd->tef', hf, W1), approximate=False)
    oe = jnp.einsum('tef,edf->ted', he, W2)
    moe = jnp.einsum('ted,te->td', oe, combine).reshape(B, S, d)
    out = x + moe
    aux = jnp.float32(E) * jnp.sum(jnp.mean(probs, axis=0) ** 2)
    return out, aux

def setup_inputs(seed: int = 0):
    key = jax.random.key(seed)
    ks = jax.random.split(key, 8)
    B, S, d_model, n_heads, d_ff, E = 1, 2048, 768, 12, 2048, 8
    s = 0.02
    return {
        'x': jax.random.normal(ks[0], (B, S, d_model), dtype=jnp.float32),
        'norm1_w': jnp.ones((d_model,), dtype=jnp.float32),
        'norm2_w': jnp.ones((d_model,), dtype=jnp.float32),
        'Wqkv': jax.random.normal(ks[1], (3 * d_model, d_model), dtype=jnp.float32) * s,
        'Wout': jax.random.normal(ks[2], (d_model, d_model), dtype=jnp.float32) * s,
        'router_W': jax.random.normal(ks[3], (E, d_model), dtype=jnp.float32) * s,
        'W1': jax.random.normal(ks[4], (E, d_ff, d_model), dtype=jnp.float32) * s,
        'W2': jax.random.normal(ks[5], (E, d_model, d_ff), dtype=jnp.float32) * s,
    }

def reference(x, norm1_w, norm2_w, Wqkv, Wout, router_W, W1, W2):
    return _block(x, norm1_w, norm2_w, Wqkv, Wout, router_W, W1, W2)

if __name__ == "__main__":
    import jax
    _d = setup_inputs()
    print(jax.jit(kernel)(*tuple(_d.values())))

</pallas_src>

<mosaic_0001>
#map = affine_map<(d0, d1) -> (0, 0)>
#map1 = affine_map<(d0, d1) -> (0)>
module attributes {stable_mosaic.version = 14 : i64} {
  func.func @_dispatch_body(%arg0: i32, %arg1: i32, %arg2: memref<2048x768xf32, #tpu.memory_space<hbm>>, %arg3: memref<4096xi32, #tpu.memory_space<hbm>>, %arg4: memref<5120x768xf32, #tpu.memory_space<hbm>>, %arg5: memref<64xi32, #tpu.memory_space<vmem>>, %arg6: memref<64xi32, #tpu.memory_space<vmem>>, %arg7: memref<64x768xf32, #tpu.memory_space<vmem>>, %arg8: memref<64x768xf32, #tpu.memory_space<vmem>>, %arg9: memref<!tpu.dma_semaphore, #tpu.memory_space<semaphore_mem>>, %arg10: memref<!tpu.dma_semaphore, #tpu.memory_space<semaphore_mem>>) attributes {dimension_semantics = [#tpu.dimension_semantics<core_parallel>, #tpu.dimension_semantics<subcore_parallel>], iteration_bounds = array<i64: 2, 16>, scalar_prefetch = 0 : i64, scratch_operands = 6 : i64, tpu.core_type = #tpu.core_type<sc_vector_subcore>, window_params = [{transform_indices = #map}, {transform_indices = #map1}, {transform_indices = #map}]} {
    %mul3A = arith.constant 2 : i32
    %mul3A_0 = arith.muli %arg1, %mul3A : i32
    %add3A = arith.addi %mul3A_0, %arg0 : i32
    %mul3A_1 = arith.constant 128 : i32
    %mul3A_2 = arith.muli %add3A, %mul3A_1 : i32
    %rem3A = arith.constant 2048 : i32
    %rem3A_3 = arith.remsi %mul3A_2, %rem3A : i32
    "tpu.region"() ({
      %run_scoped3A = tpu.sem_alloc : memref<!tpu.dma_semaphore, #tpu.memory_space<semaphore_mem>>
      %dma_start3A_18 = tpu.memref_slice %arg3[%mul3A_2] : memref<4096xi32, #tpu.memory_space<hbm>> -> memref<64xi32, #tpu.memory_space<hbm>>
      %dma_start3A_19 = tpu.memref_slice %arg3[%mul3A_2] : memref<4096xi32, #tpu.memory_space<hbm>> -> memref<64xi32, #tpu.memory_space<hbm>>
      tpu.enqueue_dma source(%dma_start3A_19 : memref<64xi32, #tpu.memory_space<hbm>>) target(%arg5 : memref<64xi32, #tpu.memory_space<vmem>>) target_semaphore(%run_scoped3A : memref<!tpu.dma_semaphore, #tpu.memory_space<semaphore_mem>>)
      %dma_wait3A_20 = tpu.memref_slice %arg3[%mul3A_2] : memref<4096xi32, #tpu.memory_space<hbm>> -> memref<64xi32, #tpu.memory_space<hbm>>
      %dma_wait3A_21 = tpu.memref_slice %arg3[%mul3A_2] : memref<4096xi32, #tpu.memory_space<hbm>> -> memref<64xi32, #tpu.memory_space<hbm>>
      tpu.wait_dma2 semaphore(%run_scoped3A : memref<!tpu.dma_semaphore, #tpu.memory_space<semaphore_mem>>) src(%dma_wait3A_21 : memref<64xi32, #tpu.memory_space<hbm>>) dst(%arg5 : memref<64xi32, #tpu.memory_space<vmem>>)
      tpu.yield
    }) : () -> ()
    %add3A_4 = arith.constant 64 : i32
    %add3A_5 = arith.addi %mul3A_2, %add3A_4 : i32
    "tpu.region"() ({
      %run_scoped3A = tpu.sem_alloc : memref<!tpu.dma_semaphore, #tpu.memory_space<semaphore_mem>>
      %dma_start3A_18 = tpu.memref_slice %arg3[%add3A_5] : memref<4096xi32, #tpu.memory_space<hbm>> -> memref<64xi32, #tpu.memory_space<hbm>>
      %dma_start3A_19 = tpu.memref_slice %arg3[%add3A_5] : memref<4096xi32, #tpu.memory_space<hbm>> -> memref<64xi32, #tpu.memory_space<hbm>>
      tpu.enqueue_dma source(%dma_start3A_19 : memref<64xi32, #tpu.memory_space<hbm>>) target(%arg6 : memref<64xi32, #tpu.memory_space<vmem>>) target_semaphore(%run_scoped3A : memref<!tpu.dma_semaphore, #tpu.memory_space<semaphore_mem>>)
      %dma_wait3A_20 = tpu.memref_slice %arg3[%add3A_5] : memref<4096xi32, #tpu.memory_space<hbm>> -> memref<64xi32, #tpu.memory_space<hbm>>
      %dma_wait3A_21 = tpu.memref_slice %arg3[%add3A_5] : memref<4096xi32, #tpu.memory_space<hbm>> -> memref<64xi32, #tpu.memory_space<hbm>>
      tpu.wait_dma2 semaphore(%run_scoped3A : memref<!tpu.dma_semaphore, #tpu.memory_space<semaphore_mem>>) src(%dma_wait3A_21 : memref<64xi32, #tpu.memory_space<hbm>>) dst(%arg6 : memref<64xi32, #tpu.memory_space<vmem>>)
      tpu.yield
    }) : () -> ()
    "tpu.region"() ({
      %run_scoped3A = tpu.sem_alloc : memref<!tpu.dma_semaphore, #tpu.memory_space<semaphore_mem>>
      %dma_start3A_18 = arith.constant 0 : i32
      %dma_start3A_19 = tpu.memref_slice %arg2[%rem3A_3, %dma_start3A_18] : memref<2048x768xf32, #tpu.memory_space<hbm>> -> memref<64x768xf32, #tpu.memory_space<hbm>>
      %dma_start3A_20 = arith.constant 0 : i32
      %dma_start3A_21 = tpu.memref_slice %arg2[%rem3A_3, %dma_start3A_20] : memref<2048x768xf32, #tpu.memory_space<hbm>> -> memref<64x768xf32, #tpu.memory_space<hbm>>
      tpu.enqueue_dma source(%dma_start3A_21 : memref<64x768xf32, #tpu.memory_space<hbm>>) target(%arg7 : memref<64x768xf32, #tpu.memory_space<vmem>>) target_semaphore(%run_scoped3A : memref<!tpu.dma_semaphore, #tpu.memory_space<semaphore_mem>>)
      %dma_wait3A_22 = arith.constant 0 : i32
      %dma_wait3A_23 = tpu.memref_slice %arg2[%rem3A_3, %dma_wait3A_22] : memref<2048x768xf32, #tpu.memory_space<hbm>> -> memref<64x768xf32, #tpu.memory_space<hbm>>
      %dma_wait3A_24 = arith.constant 0 : i32
      %dma_wait3A_25 = tpu.memref_slice %arg2[%rem3A_3, %dma_wait3A_24] : memref<2048x768xf32, #tpu.memory_space<hbm>> -> memref<64x768xf32, #tpu.memory_space<hbm>>
      tpu.wait_dma2 semaphore(%run_scoped3A : memref<!tpu.dma_semaphore, #tpu.memory_space<semaphore_mem>>) src(%dma_wait3A_25 : memref<64x768xf32, #tpu.memory_space<hbm>>) dst(%arg7 : memref<64x768xf32, #tpu.memory_space<vmem>>)
      tpu.yield
    }) : () -> ()
    %dma_start3A = arith.constant 0 : i32
    %dma_start3A_6 = arith.constant 0 : i32
    %dma_start3A_7 = tpu.memref_slice %arg4[%dma_start3A, %dma_start3A_6] : memref<5120x768xf32, #tpu.memory_space<hbm>> -> memref<5120x768xf32, #tpu.memory_space<hbm>>
    tpu.enqueue_indirect_dma source(%arg7 : memref<64x768xf32, #tpu.memory_space<vmem>>) target(%dma_start3A_7 : memref<5120x768xf32, #tpu.memory_space<hbm>>) offsets(%arg5 : memref<64xi32, #tpu.memory_space<vmem>>) semaphore(%arg9 : memref<!tpu.dma_semaphore, #tpu.memory_space<semaphore_mem>>)
    %add3A_8 = arith.constant 64 : i32
    %add3A_9 = arith.addi %rem3A_3, %add3A_8 : i32
    "tpu.region"() ({
      %run_scoped3A = tpu.sem_alloc : memref<!tpu.dma_semaphore, #tpu.memory_space<semaphore_mem>>
      %dma_start3A_18 = arith.constant 0 : i32
      %dma_start3A_19 = tpu.memref_slice %arg2[%add3A_9, %dma_start3A_18] : memref<2048x768xf32, #tpu.memory_space<hbm>> -> memref<64x768xf32, #tpu.memory_space<hbm>>
      %dma_start3A_20 = arith.constant 0 : i32
      %dma_start3A_21 = tpu.memref_slice %arg2[%add3A_9, %dma_start3A_20] : memref<2048x768xf32, #tpu.memory_space<hbm>> -> memref<64x768xf32, #tpu.memory_space<hbm>>
      tpu.enqueue_dma source(%dma_start3A_21 : memref<64x768xf32, #tpu.memory_space<hbm>>) target(%arg8 : memref<64x768xf32, #tpu.memory_space<vmem>>) target_semaphore(%run_scoped3A : memref<!tpu.dma_semaphore, #tpu.memory_space<semaphore_mem>>)
      %dma_wait3A_22 = arith.constant 0 : i32
      %dma_wait3A_23 = tpu.memref_slice %arg2[%add3A_9, %dma_wait3A_22] : memref<2048x768xf32, #tpu.memory_space<hbm>> -> memref<64x768xf32, #tpu.memory_space<hbm>>
      %dma_wait3A_24 = arith.constant 0 : i32
      %dma_wait3A_25 = tpu.memref_slice %arg2[%add3A_9, %dma_wait3A_24] : memref<2048x768xf32, #tpu.memory_space<hbm>> -> memref<64x768xf32, #tpu.memory_space<hbm>>
      tpu.wait_dma2 semaphore(%run_scoped3A : memref<!tpu.dma_semaphore, #tpu.memory_space<semaphore_mem>>) src(%dma_wait3A_25 : memref<64x768xf32, #tpu.memory_space<hbm>>) dst(%arg8 : memref<64x768xf32, #tpu.memory_space<vmem>>)
      tpu.yield
    }) : () -> ()
    %dma_start3A_10 = arith.constant 0 : i32
    %dma_start3A_11 = arith.constant 0 : i32
    %dma_start3A_12 = tpu.memref_slice %arg4[%dma_start3A_10, %dma_start3A_11] : memref<5120x768xf32, #tpu.memory_space<hbm>> -> memref<5120x768xf32, #tpu.memory_space<hbm>>
    tpu.enqueue_indirect_dma source(%arg8 : memref<64x768xf32, #tpu.memory_space<vmem>>) target(%dma_start3A_12 : memref<5120x768xf32, #tpu.memory_space<hbm>>) offsets(%arg6 : memref<64xi32, #tpu.memory_space<vmem>>) semaphore(%arg10 : memref<!tpu.dma_semaphore, #tpu.memory_space<semaphore_mem>>)
    %dma_wait3A = arith.constant 0 : i32
    %dma_wait3A_13 = arith.constant 0 : i32
    %dma_wait3A_14 = tpu.memref_slice %arg4[%dma_wait3A, %dma_wait3A_13] : memref<5120x768xf32, #tpu.memory_space<hbm>> -> memref<5120x768xf32, #tpu.memory_space<hbm>>
    tpu.wait_indirect_dma semaphore(%arg9 : memref<!tpu.dma_semaphore, #tpu.memory_space<semaphore_mem>>) src(%arg7 : memref<64x768xf32, #tpu.memory_space<vmem>>) dst(%dma_wait3A_14 : memref<5120x768xf32, #tpu.memory_space<hbm>>)
    %dma_wait3A_15 = arith.constant 0 : i32
    %dma_wait3A_16 = arith.constant 0 : i32
    %dma_wait3A_17 = tpu.memref_slice %arg4[%dma_wait3A_15, %dma_wait3A_16] : memref<5120x768xf32, #tpu.memory_space<hbm>> -> memref<5120x768xf32, #tpu.memory_space<hbm>>
    tpu.wait_indirect_dma semaphore(%arg10 : memref<!tpu.dma_semaphore, #tpu.memory_space<semaphore_mem>>) src(%arg8 : memref<64x768xf32, #tpu.memory_space<vmem>>) dst(%dma_wait3A_17 : memref<5120x768xf32, #tpu.memory_space<hbm>>)
    return
  }
}

#map = affine_map<(d0, d1) -> (0, 0)>
#map1 = affine_map<(d0, d1) -> (0)>
module attributes {stable_mosaic.version = 14 : i64} {
  func.func @_gather_body(%arg0: i32, %arg1: i32, %arg2: memref<5120x768xf32, #tpu.memory_space<hbm>>, %arg3: memref<4096xi32, #tpu.memory_space<hbm>>, %arg4: memref<4096x768xf32, #tpu.memory_space<hbm>>, %arg5: memref<128xi32, #tpu.memory_space<vmem>>, %arg6: memref<128x768xf32, #tpu.memory_space<vmem>>, %arg7: memref<!tpu.dma_semaphore, #tpu.memory_space<semaphore_mem>>) attributes {dimension_semantics = [#tpu.dimension_semantics<core_parallel>, #tpu.dimension_semantics<subcore_parallel>], iteration_bounds = array<i64: 2, 16>, scalar_prefetch = 0 : i64, scratch_operands = 3 : i64, tpu.core_type = #tpu.core_type<sc_vector_subcore>, window_params = [{transform_indices = #map}, {transform_indices = #map1}, {transform_indices = #map}]} {
    %mul3A = arith.constant 2 : i32
    %mul3A_0 = arith.muli %arg1, %mul3A : i32
    %add3A = arith.addi %mul3A_0, %arg0 : i32
    %mul3A_1 = arith.constant 128 : i32
    %mul3A_2 = arith.muli %add3A, %mul3A_1 : i32
    "tpu.region"() ({
      %run_scoped3A = tpu.sem_alloc : memref<!tpu.dma_semaphore, #tpu.memory_space<semaphore_mem>>
      %dma_start3A_7 = tpu.memref_slice %arg3[%mul3A_2] : memref<4096xi32, #tpu.memory_space<hbm>> -> memref<128xi32, #tpu.memory_space<hbm>>
      %dma_start3A_8 = tpu.memref_slice %arg3[%mul3A_2] : memref<4096xi32, #tpu.memory_space<hbm>> -> memref<128xi32, #tpu.memory_space<hbm>>
      tpu.enqueue_dma source(%dma_start3A_8 : memref<128xi32, #tpu.memory_space<hbm>>) target(%arg5 : memref<128xi32, #tpu.memory_space<vmem>>) target_semaphore(%run_scoped3A : memref<!tpu.dma_semaphore, #tpu.memory_space<semaphore_mem>>)
      %dma_wait3A_9 = tpu.memref_slice %arg3[%mul3A_2] : memref<4096xi32, #tpu.memory_space<hbm>> -> memref<128xi32, #tpu.memory_space<hbm>>
      %dma_wait3A_10 = tpu.memref_slice %arg3[%mul3A_2] : memref<4096xi32, #tpu.memory_space<hbm>> -> memref<128xi32, #tpu.memory_space<hbm>>
      tpu.wait_dma2 semaphore(%run_scoped3A : memref<!tpu.dma_semaphore, #tpu.memory_space<semaphore_mem>>) src(%dma_wait3A_10 : memref<128xi32, #tpu.memory_space<hbm>>) dst(%arg5 : memref<128xi32, #tpu.memory_space<vmem>>)
      tpu.yield
    }) : () -> ()
    %dma_start3A = arith.constant 0 : i32
    %dma_start3A_3 = arith.constant 0 : i32
    %dma_start3A_4 = tpu.memref_slice %arg2[%dma_start3A, %dma_start3A_3] : memref<5120x768xf32, #tpu.memory_space<hbm>> -> memref<5120x768xf32, #tpu.memory_space<hbm>>
    tpu.enqueue_indirect_dma source(%dma_start3A_4 : memref<5120x768xf32, #tpu.memory_space<hbm>>) target(%arg6 : memref<128x768xf32, #tpu.memory_space<vmem>>) offsets(%arg5 : memref<128xi32, #tpu.memory_space<vmem>>) semaphore(%arg7 : memref<!tpu.dma_semaphore, #tpu.memory_space<semaphore_mem>>)
    %dma_wait3A = arith.constant 0 : i32
    %dma_wait3A_5 = arith.constant 0 : i32
    %dma_wait3A_6 = tpu.memref_slice %arg2[%dma_wait3A, %dma_wait3A_5] : memref<5120x768xf32, #tpu.memory_space<hbm>> -> memref<5120x768xf32, #tpu.memory_space<hbm>>
    tpu.wait_indirect_dma semaphore(%arg7 : memref<!tpu.dma_semaphore, #tpu.memory_space<semaphore_mem>>) src(%dma_wait3A_6 : memref<5120x768xf32, #tpu.memory_space<hbm>>) dst(%arg6 : memref<128x768xf32, #tpu.memory_space<vmem>>)
    "tpu.region"() ({
      %run_scoped3A = tpu.sem_alloc : memref<!tpu.dma_semaphore, #tpu.memory_space<semaphore_mem>>
      %dma_start3A_7 = arith.constant 0 : i32
      %dma_start3A_8 = tpu.memref_slice %arg4[%mul3A_2, %dma_start3A_7] : memref<4096x768xf32, #tpu.memory_space<hbm>> -> memref<128x768xf32, #tpu.memory_space<hbm>>
      %dma_start3A_9 = arith.constant 0 : i32
      %dma_start3A_10 = tpu.memref_slice %arg4[%mul3A_2, %dma_start3A_9] : memref<4096x768xf32, #tpu.memory_space<hbm>> -> memref<128x768xf32, #tpu.memory_space<hbm>>
      tpu.enqueue_dma source(%arg6 : memref<128x768xf32, #tpu.memory_space<vmem>>) target(%dma_start3A_10 : memref<128x768xf32, #tpu.memory_space<hbm>>) target_semaphore(%run_scoped3A : memref<!tpu.dma_semaphore, #tpu.memory_space<semaphore_mem>>)
      %dma_wait3A_11 = arith.constant 0 : i32
      %dma_wait3A_12 = tpu.memref_slice %arg4[%mul3A_2, %dma_wait3A_11] : memref<4096x768xf32, #tpu.memory_space<hbm>> -> memref<128x768xf32, #tpu.memory_space<hbm>>
      %dma_wait3A_13 = arith.constant 0 : i32
      %dma_wait3A_14 = tpu.memref_slice %arg4[%mul3A_2, %dma_wait3A_13] : memref<4096x768xf32, #tpu.memory_space<hbm>> -> memref<128x768xf32, #tpu.memory_space<hbm>>
      tpu.wait_dma2 semaphore(%run_scoped3A : memref<!tpu.dma_semaphore, #tpu.memory_space<semaphore_mem>>) src(%arg6 : memref<128x768xf32, #tpu.memory_space<vmem>>) dst(%dma_wait3A_14 : memref<128x768xf32, #tpu.memory_space<hbm>>)
      tpu.yield
    }) : () -> ()
    return
  }
}

module attributes {stable_mosaic.version = 14 : i64} {
  func.func @_qkv_kernel(%arg0: i32, %arg1: memref<256x768xf32, #tpu.memory_space<vmem>>, %arg2: memref<1x768xf32, #tpu.memory_space<vmem>>, %arg3: memref<2304x768xbf16, #tpu.memory_space<vmem>>, %arg4: memref<256x2304xbf16, #tpu.memory_space<vmem>>, %arg5: memref<256x256xf32, #tpu.memory_space<vmem>>) attributes {dimension_semantics = [#tpu.dimension_semantics<arbitrary>], iteration_bounds = array<i64: 8>, scalar_prefetch = 0 : i64, scratch_operands = 0 : i64, tpu.core_type = #tpu.core_type<tc>, window_params = [{transform_indices = @transform_0, window_bounds = array<i64: 256, 768>}, {pipeline_mode = #tpu.pipeline_mode<synchronous>, transform_indices = @transform_1, window_bounds = array<i64: 1, 768>}, {pipeline_mode = #tpu.pipeline_mode<synchronous>, transform_indices = @transform_2, window_bounds = array<i64: 2304, 768>}, {transform_indices = @transform_3, window_bounds = array<i64: 256, 2304>}, {transform_indices = @transform_4, window_bounds = array<i64: 256, 256>}]} {
    %get3A = arith.constant 0 : index
    %get3A_0 = arith.constant 0 : index
    %get3A_1 = vector.load %arg1[%get3A, %get3A_0] : memref<256x768xf32, #tpu.memory_space<vmem>>, vector<256x768xf32>
    %mul3A = arith.mulf %get3A_1, %get3A_1 : vector<256x768xf32>
    %reduce_sum3A = arith.constant dense<0.000000e+00> : vector<256xf32>
    %reduce_sum3A_2 = vector.multi_reduction <add>, %mul3A, %reduce_sum3A [1] : vector<256x768xf32> to vector<256xf32>
    %broadcast_in_dim3A = vector.shape_cast %reduce_sum3A_2 : vector<256xf32> to vector<256x1xf32>
    %div3A = arith.constant 7.680000e+02 : f32
    %div3A_3 = vector.broadcast %div3A : f32 to vector<256x1xf32>
    %div3A_4 = arith.divf %broadcast_in_dim3A, %div3A_3 : vector<256x1xf32>
    %add3A = arith.constant 1.1920929E-7 : f32
    %add3A_5 = vector.broadcast %add3A : f32 to vector<256x1xf32>
    %add3A_6 = arith.addf %div3A_4, %add3A_5 : vector<256x1xf32>
    %rsqrt3A = math.rsqrt %add3A_6 : vector<256x1xf32>
    %mul3A_7 = vector.broadcast %rsqrt3A : vector<256x1xf32> to vector<256x768xf32>
    %mul3A_8 = arith.mulf %get3A_1, %mul3A_7 : vector<256x768xf32>
    %get3A_9 = arith.constant 0 : index
    %get3A_10 = arith.constant 0 : index
    %get3A_11 = vector.load %arg2[%get3A_9, %get3A_10] : memref<1x768xf32, #tpu.memory_space<vmem>>, vector<1x768xf32>
    %mul3A_12 = vector.broadcast %get3A_11 : vector<1x768xf32> to vector<256x768xf32>
    %mul3A_13 = arith.mulf %mul3A_8, %mul3A_12 : vector<256x768xf32>
    %convert_element_type3A = arith.truncf %mul3A_13 : vector<256x768xf32> to vector<256x768xbf16>
    %get3A_14 = arith.constant 0 : index
    %get3A_15 = arith.constant 0 : index
    %get3A_16 = vector.load %arg3[%get3A_14, %get3A_15] : memref<2304x768xbf16, #tpu.memory_space<vmem>>, vector<2304x768xbf16>
    %dot_general3A = arith.constant dense<0.000000e+00> : vector<256x2304xf32>
    %dot_general3A_17 = tpu.matmul %convert_element_type3A, %get3A_16, %dot_general3A {dimension_numbers = #tpu.dot_dimension_numbers<[1], [1], [0], [0], [0, 0, 1, 0], [], []>, transpose_lhs_hint = false} : vector<256x768xbf16>, vector<2304x768xbf16>, vector<256x2304xf32> -> vector<256x2304xf32>
    %convert_element_type3A_18 = arith.truncf %dot_general3A_17 : vector<256x2304xf32> to vector<256x2304xbf16>
    %swap3A = arith.constant 0 : index
    %swap3A_19 = arith.constant 0 : index
    %swap3A_20 = vector.load %arg4[%swap3A, %swap3A_19] : memref<256x2304xbf16, #tpu.memory_space<vmem>>, vector<256x2304xbf16>
    tpu.vector_store %arg4[%swap3A, %swap3A_19], %convert_element_type3A_18 {strides = array<i32>} : memref<256x2304xbf16, #tpu.memory_space<vmem>>, vector<256x2304xbf16>,
    %mul3A_21 = arith.constant 256 : i32
    %mul3A_22 = arith.muli %arg0, %mul3A_21 : i32
    %iota3A = tpu.iota {dimensions = array<i32: 0>} : vector<256x32xi32>
    %add3A_23 = vector.broadcast %mul3A_22 : i32 to vector<256x32xi32>
    %add3A_24 = arith.addi %add3A_23, %iota3A : vector<256x32xi32>
    %convert_element_type3A_25 = arith.sitofp %add3A_24 : vector<256x32xi32> to vector<256x32xf32>
    %iota3A_26 = tpu.iota {dimensions = array<i32: 1>} : vector<256x32xi32>
    %convert_element_type3A_27 = arith.sitofp %iota3A_26 : vector<256x32xi32> to vector<256x32xf32>
    %mul3A_28 = arith.constant -0.287823141 : f32
    %mul3A_29 = vector.broadcast %mul3A_28 : f32 to vector<256x32xf32>
    %mul3A_30 = arith.mulf %convert_element_type3A_27, %mul3A_29 : vector<256x32xf32>
    %exp3A = math.exp %mul3A_30 : vector<256x32xf32>
    %mul3A_31 = arith.mulf %convert_element_type3A_25, %exp3A : vector<256x32xf32>
    %cos3A = math.cos %mul3A_31 : vector<256x32xf32>
    %sin3A = math.sin %mul3A_31 : vector<256x32xf32>
    %neg3A = arith.constant 0.000000e+00 : f32
    %neg3A_32 = vector.broadcast %neg3A : f32 to vector<256x32xf32>
    %neg3A_33 = arith.subf %neg3A_32, %sin3A : vector<256x32xf32>
    %neg3A_34 = arith.constant 0.000000e+00 : f32
    %neg3A_35 = vector.broadcast %neg3A_34 : f32 to vector<256x32xf32>
    %neg3A_36 = arith.subf %neg3A_35, %sin3A : vector<256x32xf32>
    %concatenate3A = tpu.concatenate %cos3A, %cos3A, %cos3A, %cos3A, %neg3A_33, %sin3A, %neg3A_36, %sin3A in 1 : vector<256x32xf32>, vector<256x32xf32>, vector<256x32xf32>, vector<256x32xf32>, vector<256x32xf32>, vector<256x32xf32>, vector<256x32xf32>, vector<256x32xf32> -> vector<256x256xf32>
    %swap3A_37 = arith.constant 0 : index
    %swap3A_38 = arith.constant 0 : index
    %swap3A_39 = vector.load %arg5[%swap3A_37, %swap3A_38] : memref<256x256xf32, #tpu.memory_space<vmem>>, vector<256x256xf32>
    tpu.vector_store %arg5[%swap3A_37, %swap3A_38], %concatenate3A {strides = array<i32>} : memref<256x256xf32, #tpu.memory_space<vmem>>, vector<256x256xf32>,
    return
  }
  func.func @transform_0(%arg0: i32) -> (i32, i32) {
    %c0_i32 = arith.constant 0 : i32
    %c0_i32_0 = arith.constant 0 : i32
    return %arg0, %c0_i32 : i32, i32
  }
  func.func @transform_1(%arg0: i32) -> (i32, i32) {
    %c0_i32 = arith.constant 0 : i32
    %c0_i32_0 = arith.constant 0 : i32
    %c0_i32_1 = arith.constant 0 : i32
    return %c0_i32, %c0_i32_0 : i32, i32
  }
  func.func @transform_2(%arg0: i32) -> (i32, i32) {
    %c0_i32 = arith.constant 0 : i32
    %c0_i32_0 = arith.constant 0 : i32
    %c0_i32_1 = arith.constant 0 : i32
    return %c0_i32, %c0_i32_0 : i32, i32
  }
  func.func @transform_3(%arg0: i32) -> (i32, i32) {
    %c0_i32 = arith.constant 0 : i32
    %c0_i32_0 = arith.constant 0 : i32
    return %arg0, %c0_i32 : i32, i32
  }
  func.func @transform_4(%arg0: i32) -> (i32, i32) {
    %c0_i32 = arith.constant 0 : i32
    %c0_i32_0 = arith.constant 0 : i32
    return %arg0, %c0_i32 : i32, i32
  }
}

module attributes {stable_mosaic.version = 14 : i64} {
  func.func @_attn_kernel(%arg0: i32, %arg1: i32, %arg2: memref<512x128xbf16, #tpu.memory_space<vmem>>, %arg3: memref<2048x128xbf16, #tpu.memory_space<vmem>>, %arg4: memref<2048x128xbf16, #tpu.memory_space<vmem>>, %arg5: memref<512x256xf32, #tpu.memory_space<vmem>>, %arg6: memref<2048x256xf32, #tpu.memory_space<vmem>>, %arg7: memref<512x128xbf16, #tpu.memory_space<vmem>>, %arg8: memref<2048x128xbf16, #tpu.memory_space<vmem>>) attributes {dimension_semantics = [#tpu.dimension_semantics<arbitrary>, #tpu.dimension_semantics<arbitrary>], iteration_bounds = array<i64: 6, 4>, scalar_prefetch = 0 : i64, scratch_operands = 1 : i64, tpu.core_type = #tpu.core_type<tc>, window_params = [{transform_indices = @transform_0, window_bounds = array<i64: 512, 128>}, {transform_indices = @transform_1, window_bounds = array<i64: 2048, 128>}, {transform_indices = @transform_2, window_bounds = array<i64: 2048, 128>}, {transform_indices = @transform_3, window_bounds = array<i64: 512, 256>}, {pipeline_mode = #tpu.pipeline_mode<synchronous>, transform_indices = @transform_4, window_bounds = array<i64: 2048, 256>}, {transform_indices = @transform_5, window_bounds = array<i64: 512, 128>}]} {
    %eq3A = arith.constant 0 : i32
    %eq3A_0 = arith.cmpi eq, %arg1, %eq3A : i32
    %convert_element_type3A = arith.extui %eq3A_0 : i1 to i32
    %cond3A = arith.constant 0 : i32
    %cond3A_1 = arith.cmpi ne, %convert_element_type3A, %cond3A : i32
    scf.if %cond3A_1 {
      %get3A_61 = arith.constant 0 : index
      %get3A_62 = arith.constant 0 : index
      %get3A_63 = vector.load %arg3[%get3A_61, %get3A_62] : memref<2048x128xbf16, #tpu.memory_space<vmem>>, vector<2048x128xbf16>
      %convert_element_type3A_64 = arith.extf %get3A_63 : vector<2048x128xbf16> to vector<2048x128xf32>
      %get3A_65 = arith.constant 0 : index
      %get3A_66 = arith.constant 0 : index
      %get3A_67 = vector.load %arg6[%get3A_65, %get3A_66] : memref<2048x256xf32, #tpu.memory_space<vmem>>, vector<2048x256xf32>
      %slice3A_68 = vector.extract_strided_slice %get3A_67 {offsets = [0, 0], sizes = [2048, 128], strides = [1, 1]} : vector<2048x256xf32> to vector<2048x128xf32>
      %slice3A_69 = vector.extract_strided_slice %get3A_67 {offsets = [0, 128], sizes = [2048, 128], strides = [1, 1]} : vector<2048x256xf32> to vector<2048x128xf32>
      %slice3A_70 = vector.extract_strided_slice %convert_element_type3A_64 {offsets = [0, 32], sizes = [2048, 32], strides = [1, 1]} : vector<2048x128xf32> to vector<2048x32xf32>
      %slice3A_71 = vector.extract_strided_slice %convert_element_type3A_64 {offsets = [0, 0], sizes = [2048, 32], strides = [1, 1]} : vector<2048x128xf32> to vector<2048x32xf32>
      %slice3A_72 = vector.extract_strided_slice %convert_element_type3A_64 {offsets = [0, 96], sizes = [2048, 32], strides = [1, 1]} : vector<2048x128xf32> to vector<2048x32xf32>
      %slice3A_73 = vector.extract_strided_slice %convert_element_type3A_64 {offsets = [0, 64], sizes = [2048, 32], strides = [1, 1]} : vector<2048x128xf32> to vector<2048x32xf32>
      %concatenate3A_74 = tpu.concatenate %slice3A_70, %slice3A_71, %slice3A_72, %slice3A_73 in 1 : vector<2048x32xf32>, vector<2048x32xf32>, vector<2048x32xf32>, vector<2048x32xf32> -> vector<2048x128xf32>
      %mul3A_75 = arith.mulf %convert_element_type3A_64, %slice3A_68 : vector<2048x128xf32>
      %mul3A_76 = arith.mulf %concatenate3A_74, %slice3A_69 : vector<2048x128xf32>
      %add3A_77 = arith.addf %mul3A_75, %mul3A_76 : vector<2048x128xf32>
      %convert_element_type3A_78 = arith.truncf %add3A_77 : vector<2048x128xf32> to vector<2048x128xbf16>
      %swap3A_79 = arith.constant 0 : index
      %swap3A_80 = arith.constant 0 : index
      %swap3A_81 = vector.load %arg8[%swap3A_79, %swap3A_80] : memref<2048x128xbf16, #tpu.memory_space<vmem>>, vector<2048x128xbf16>
      tpu.vector_store %arg8[%swap3A_79, %swap3A_80], %convert_element_type3A_78 {strides = array<i32>} : memref<2048x128xbf16, #tpu.memory_space<vmem>>, vector<2048x128xbf16>,
    } else {
    }
    %get3A = arith.constant 0 : index
    %get3A_2 = arith.constant 0 : index
    %get3A_3 = vector.load %arg5[%get3A, %get3A_2] : memref<512x256xf32, #tpu.memory_space<vmem>>, vector<512x256xf32>
    %get3A_4 = arith.constant 0 : index
    %get3A_5 = arith.constant 0 : index
    %get3A_6 = vector.load %arg2[%get3A_4, %get3A_5] : memref<512x128xbf16, #tpu.memory_space<vmem>>, vector<512x128xbf16>
    %convert_element_type3A_7 = arith.extf %get3A_6 : vector<512x128xbf16> to vector<512x128xf32>
    %slice3A = vector.extract_strided_slice %get3A_3 {offsets = [0, 0], sizes = [512, 128], strides = [1, 1]} : vector<512x256xf32> to vector<512x128xf32>
    %slice3A_8 = vector.extract_strided_slice %get3A_3 {offsets = [0, 128], sizes = [512, 128], strides = [1, 1]} : vector<512x256xf32> to vector<512x128xf32>
    %slice3A_9 = vector.extract_strided_slice %convert_element_type3A_7 {offsets = [0, 32], sizes = [512, 32], strides = [1, 1]} : vector<512x128xf32> to vector<512x32xf32>
    %slice3A_10 = vector.extract_strided_slice %convert_element_type3A_7 {offsets = [0, 0], sizes = [512, 32], strides = [1, 1]} : vector<512x128xf32> to vector<512x32xf32>
    %slice3A_11 = vector.extract_strided_slice %convert_element_type3A_7 {offsets = [0, 96], sizes = [512, 32], strides = [1, 1]} : vector<512x128xf32> to vector<512x32xf32>
    %slice3A_12 = vector.extract_strided_slice %convert_element_type3A_7 {offsets = [0, 64], sizes = [512, 32], strides = [1, 1]} : vector<512x128xf32> to vector<512x32xf32>
    %concatenate3A = tpu.concatenate %slice3A_9, %slice3A_10, %slice3A_11, %slice3A_12 in 1 : vector<512x32xf32>, vector<512x32xf32>, vector<512x32xf32>, vector<512x32xf32> -> vector<512x128xf32>
    %mul3A = arith.mulf %convert_element_type3A_7, %slice3A : vector<512x128xf32>
    %mul3A_13 = arith.mulf %concatenate3A, %slice3A_8 : vector<512x128xf32>
    %add3A = arith.addf %mul3A, %mul3A_13 : vector<512x128xf32>
    %convert_element_type3A_14 = arith.truncf %add3A : vector<512x128xf32> to vector<512x128xbf16>
    %slice3A_15 = vector.extract_strided_slice %convert_element_type3A_14 {offsets = [0, 0], sizes = [512, 64], strides = [1, 1]} : vector<512x128xbf16> to vector<512x64xbf16>
    %slice3A_16 = vector.extract_strided_slice %convert_element_type3A_14 {offsets = [0, 64], sizes = [512, 64], strides = [1, 1]} : vector<512x128xbf16> to vector<512x64xbf16>
    %mul3A_17 = arith.constant 512 : i32
    %mul3A_18 = arith.muli %arg1, %mul3A_17 : i32
    %iota3A = tpu.iota {dimensions = array<i32: 0>} : vector<512x512xi32>
    %add3A_19 = vector.broadcast %mul3A_18 : i32 to vector<512x512xi32>
    %add3A_20 = arith.addi %add3A_19, %iota3A : vector<512x512xi32>
    %iota3A_21 = tpu.iota {dimensions = array<i32: 1>} : vector<512x512xi32>
    %broadcast_in_dim3A = arith.constant 0.000000e+00 : f32
    %broadcast_in_dim3A_22 = vector.broadcast %broadcast_in_dim3A : f32 to vector<512x64xf32>
    %broadcast_in_dim3A_23 = arith.constant 0.000000e+00 : f32
    %broadcast_in_dim3A_24 = vector.broadcast %broadcast_in_dim3A_23 : f32 to vector<512x1xf32>
    %jit3A = arith.constant 1 : i32
    %div3A = arith.divsi %arg1, %jit3A : i32
    %sign3A = arith.constant 0 : i32
    %sign3A_25 = arith.cmpi sgt, %arg1, %sign3A : i32
    %sign3A_26 = arith.extui %sign3A_25 : i1 to i32
    %sign3A_27 = arith.constant 0 : i32
    %sign3A_28 = arith.cmpi slt, %arg1, %sign3A_27 : i32
    %sign3A_29 = arith.extui %sign3A_28 : i1 to i32
    %sign3A_30 = arith.subi %sign3A_26, %sign3A_29 : i32
    %sign3A_31 = arith.constant 0 : i32
    %sign3A_32 = arith.cmpi sgt, %jit3A, %sign3A_31 : i32
    %sign3A_33 = arith.extui %sign3A_32 : i1 to i32
    %sign3A_34 = arith.constant 0 : i32
    %sign3A_35 = arith.cmpi slt, %jit3A, %sign3A_34 : i32
    %sign3A_36 = arith.extui %sign3A_35 : i1 to i32
    %sign3A_37 = arith.subi %sign3A_33, %sign3A_36 : i32
    %ne3A = arith.cmpi ne, %sign3A_30, %sign3A_37 : i32
    %rem3A = arith.remsi %arg1, %jit3A : i32
    %ne3A_38 = arith.constant 0 : i32
    %ne3A_39 = arith.cmpi ne, %rem3A, %ne3A_38 : i32
    %and3A = arith.andi %ne3A, %ne3A_39 : i1
    %sub3A = arith.constant 1 : i32
    %sub3A_40 = arith.subi %div3A, %sub3A : i32
    %select_n3A = arith.select %and3A, %sub3A_40, %div3A : i32
    %add3A_41 = arith.constant 1 : i32
    %add3A_42 = arith.addi %select_n3A, %add3A_41 : i32
    %while3A = arith.constant 0 : i32
    %while3A_43 = arith.subi %add3A_42, %while3A : i32
    %while3A_44 = arith.addi %while3A, %while3A_43 : i32
    %while3A_45 = arith.constant 1 : i32
    %while3A_46 = arith.divsi %while3A_43, %while3A_45 : i32
    %while3A_47 = arith.muli %while3A_46, %while3A_45 : i32
    %while3A_48 = arith.addi %while3A, %while3A_47 : i32
    %while3A_49 = arith.constant 1 : i32
    %while3A_50:4 = scf.for %while3A_61 = %while3A to %while3A_48 step %while3A_49 iter_args(%while3A_62 = %broadcast_in_dim3A_22, %while3A_63 = %broadcast_in_dim3A_22, %while3A_64 = %broadcast_in_dim3A_24, %while3A_65 = %broadcast_in_dim3A_24) -> (vector<512x64xf32>, vector<512x64xf32>, vector<512x1xf32>, vector<512x1xf32>)  : i32 {
      %mul3A_66 = arith.constant 512 : i32
      %mul3A_67 = arith.muli %while3A_61, %mul3A_66 : i32
      %get3A_68 = arith.index_cast %mul3A_67 : i32 to index
      %get3A_69 = arith.constant 0 : index
      %get3A_70 = vector.load %arg8[%get3A_68, %get3A_69] : memref<2048x128xbf16, #tpu.memory_space<vmem>>, vector<512x128xbf16>
      %mul3A_71 = arith.constant 512 : i32
      %mul3A_72 = arith.muli %while3A_61, %mul3A_71 : i32
      %get3A_73 = arith.index_cast %mul3A_72 : i32 to index
      %get3A_74 = arith.constant 0 : index
      %get3A_75 = vector.load %arg4[%get3A_73, %get3A_74] : memref<2048x128xbf16, #tpu.memory_space<vmem>>, vector<512x128xbf16>
      %mul3A_76 = arith.constant 512 : i32
      %mul3A_77 = arith.muli %while3A_61, %mul3A_76 : i32
      %add3A_78 = vector.broadcast %mul3A_77 : i32 to vector<512x512xi32>
      %add3A_79 = arith.addi %add3A_78, %iota3A_21 : vector<512x512xi32>
      %slice3A_80 = vector.extract_strided_slice %get3A_70 {offsets = [0, 0], sizes = [512, 64], strides = [1, 1]} : vector<512x128xbf16> to vector<512x64xbf16>
      %dot_general3A = arith.constant dense<0.000000e+00> : vector<512x512xf32>
      %dot_general3A_81 = tpu.matmul %slice3A_15, %slice3A_80, %dot_general3A {dimension_numbers = #tpu.dot_dimension_numbers<[1], [1], [0], [0], [0, 0, 1, 0], [], []>, transpose_lhs_hint = false} : vector<512x64xbf16>, vector<512x64xbf16>, vector<512x512xf32> -> vector<512x512xf32>
      %le3A = arith.cmpi sle, %add3A_79, %add3A_20 : vector<512x512xi32>
      %mul3A_82 = arith.constant 1.250000e-01 : f32
      %mul3A_83 = vector.broadcast %mul3A_82 : f32 to vector<512x512xf32>
      %mul3A_84 = arith.mulf %dot_general3A_81, %mul3A_83 : vector<512x512xf32>
      %sub3A_85 = arith.constant 2.000000e+01 : f32
      %sub3A_86 = vector.broadcast %sub3A_85 : f32 to vector<512x512xf32>
      %sub3A_87 = arith.subf %mul3A_84, %sub3A_86 : vector<512x512xf32>
      %jit3A_88 = arith.constant -1.000000e+30 : f32
      %broadcast_in_dim3A_89 = vector.broadcast %jit3A_88 : f32 to vector<512x512xf32>
      %select_n3A_90 = arith.select %le3A, %sub3A_87, %broadcast_in_dim3A_89 : vector<512x512xi1>, vector<512x512xf32>
      %exp3A = math.exp %select_n3A_90 : vector<512x512xf32>
      %convert_element_type3A_91 = arith.truncf %exp3A : vector<512x512xf32> to vector<512x512xbf16>
      %slice3A_92 = vector.extract_strided_slice %get3A_75 {offsets = [0, 0], sizes = [512, 64], strides = [1, 1]} : vector<512x128xbf16> to vector<512x64xbf16>
      %dot_general3A_93 = arith.constant dense<0.000000e+00> : vector<512x64xf32>
      %dot_general3A_94 = tpu.matmul %convert_element_type3A_91, %slice3A_92, %dot_general3A_93 {dimension_numbers = #tpu.dot_dimension_numbers<[1], [0], [0], [1], [0, 0, 1, 1], [], []>, transpose_lhs_hint = false} : vector<512x512xbf16>, vector<512x64xbf16>, vector<512x64xf32> -> vector<512x64xf32>
      %reduce_sum3A = arith.constant dense<0.000000e+00> : vector<512xf32>
      %reduce_sum3A_95 = vector.multi_reduction <add>, %exp3A, %reduce_sum3A [1] : vector<512x512xf32> to vector<512xf32>
      %broadcast_in_dim3A_96 = vector.shape_cast %reduce_sum3A_95 : vector<512xf32> to vector<512x1xf32>
      %slice3A_97 = vector.extract_strided_slice %get3A_70 {offsets = [0, 64], sizes = [512, 64], strides = [1, 1]} : vector<512x128xbf16> to vector<512x64xbf16>
      %dot_general3A_98 = arith.constant dense<0.000000e+00> : vector<512x512xf32>
      %dot_general3A_99 = tpu.matmul %slice3A_16, %slice3A_97, %dot_general3A_98 {dimension_numbers = #tpu.dot_dimension_numbers<[1], [1], [0], [0], [0, 0, 1, 0], [], []>, transpose_lhs_hint = false} : vector<512x64xbf16>, vector<512x64xbf16>, vector<512x512xf32> -> vector<512x512xf32>
      %le3A_100 = arith.cmpi sle, %add3A_79, %add3A_20 : vector<512x512xi32>
      %mul3A_101 = arith.constant 1.250000e-01 : f32
      %mul3A_102 = vector.broadcast %mul3A_101 : f32 to vector<512x512xf32>
      %mul3A_103 = arith.mulf %dot_general3A_99, %mul3A_102 : vector<512x512xf32>
      %sub3A_104 = arith.constant 2.000000e+01 : f32
      %sub3A_105 = vector.broadcast %sub3A_104 : f32 to vector<512x512xf32>
      %sub3A_106 = arith.subf %mul3A_103, %sub3A_105 : vector<512x512xf32>
      %jit3A_107 = arith.constant -1.000000e+30 : f32
      %broadcast_in_dim3A_108 = vector.broadcast %jit3A_107 : f32 to vector<512x512xf32>
      %select_n3A_109 = arith.select %le3A_100, %sub3A_106, %broadcast_in_dim3A_108 : vector<512x512xi1>, vector<512x512xf32>
      %exp3A_110 = math.exp %select_n3A_109 : vector<512x512xf32>
      %convert_element_type3A_111 = arith.truncf %exp3A_110 : vector<512x512xf32> to vector<512x512xbf16>
      %slice3A_112 = vector.extract_strided_slice %get3A_75 {offsets = [0, 64], sizes = [512, 64], strides = [1, 1]} : vector<512x128xbf16> to vector<512x64xbf16>
      %dot_general3A_113 = arith.constant dense<0.000000e+00> : vector<512x64xf32>
      %dot_general3A_114 = tpu.matmul %convert_element_type3A_111, %slice3A_112, %dot_general3A_113 {dimension_numbers = #tpu.dot_dimension_numbers<[1], [0], [0], [1], [0, 0, 1, 1], [], []>, transpose_lhs_hint = false} : vector<512x512xbf16>, vector<512x64xbf16>, vector<512x64xf32> -> vector<512x64xf32>
      %reduce_sum3A_115 = arith.constant dense<0.000000e+00> : vector<512xf32>
      %reduce_sum3A_116 = vector.multi_reduction <add>, %exp3A_110, %reduce_sum3A_115 [1] : vector<512x512xf32> to vector<512xf32>
      %broadcast_in_dim3A_117 = vector.shape_cast %reduce_sum3A_116 : vector<512xf32> to vector<512x1xf32>
      %add3A_118 = arith.addf %while3A_62, %dot_general3A_94 : vector<512x64xf32>
      %add3A_119 = arith.addf %while3A_63, %dot_general3A_114 : vector<512x64xf32>
      %add3A_120 = arith.addf %while3A_64, %broadcast_in_dim3A_96 : vector<512x1xf32>
      %add3A_121 = arith.addf %while3A_65, %broadcast_in_dim3A_117 : vector<512x1xf32>
      scf.yield %add3A_118, %add3A_119, %add3A_120, %add3A_121 : vector<512x64xf32>, vector<512x64xf32>, vector<512x1xf32>, vector<512x1xf32>
    }
    %while3A_51 = arith.constant 1 : i32
    %while3A_52:4 = scf.for %while3A_61 = %while3A_48 to %while3A_44 step %while3A_51 iter_args(%while3A_62 = %while3A_50#0, %while3A_63 = %while3A_50#1, %while3A_64 = %while3A_50#2, %while3A_65 = %while3A_50#3) -> (vector<512x64xf32>, vector<512x64xf32>, vector<512x1xf32>, vector<512x1xf32>)  : i32 {
      %mul3A_66 = arith.constant 512 : i32
      %mul3A_67 = arith.muli %while3A_61, %mul3A_66 : i32
      %get3A_68 = arith.index_cast %mul3A_67 : i32 to index
      %get3A_69 = arith.constant 0 : index
      %get3A_70 = vector.load %arg8[%get3A_68, %get3A_69] : memref<2048x128xbf16, #tpu.memory_space<vmem>>, vector<512x128xbf16>
      %mul3A_71 = arith.constant 512 : i32
      %mul3A_72 = arith.muli %while3A_61, %mul3A_71 : i32
      %get3A_73 = arith.index_cast %mul3A_72 : i32 to index
      %get3A_74 = arith.constant 0 : index
      %get3A_75 = vector.load %arg4[%get3A_73, %get3A_74] : memref<2048x128xbf16, #tpu.memory_space<vmem>>, vector<512x128xbf16>
      %mul3A_76 = arith.constant 512 : i32
      %mul3A_77 = arith.muli %while3A_61, %mul3A_76 : i32
      %add3A_78 = vector.broadcast %mul3A_77 : i32 to vector<512x512xi32>
      %add3A_79 = arith.addi %add3A_78, %iota3A_21 : vector<512x512xi32>
      %slice3A_80 = vector.extract_strided_slice %get3A_70 {offsets = [0, 0], sizes = [512, 64], strides = [1, 1]} : vector<512x128xbf16> to vector<512x64xbf16>
      %dot_general3A = arith.constant dense<0.000000e+00> : vector<512x512xf32>
      %dot_general3A_81 = tpu.matmul %slice3A_15, %slice3A_80, %dot_general3A {dimension_numbers = #tpu.dot_dimension_numbers<[1], [1], [0], [0], [0, 0, 1, 0], [], []>, transpose_lhs_hint = false} : vector<512x64xbf16>, vector<512x64xbf16>, vector<512x512xf32> -> vector<512x512xf32>
      %le3A = arith.cmpi sle, %add3A_79, %add3A_20 : vector<512x512xi32>
      %mul3A_82 = arith.constant 1.250000e-01 : f32
      %mul3A_83 = vector.broadcast %mul3A_82 : f32 to vector<512x512xf32>
      %mul3A_84 = arith.mulf %dot_general3A_81, %mul3A_83 : vector<512x512xf32>
      %sub3A_85 = arith.constant 2.000000e+01 : f32
      %sub3A_86 = vector.broadcast %sub3A_85 : f32 to vector<512x512xf32>
      %sub3A_87 = arith.subf %mul3A_84, %sub3A_86 : vector<512x512xf32>
      %jit3A_88 = arith.constant -1.000000e+30 : f32
      %broadcast_in_dim3A_89 = vector.broadcast %jit3A_88 : f32 to vector<512x512xf32>
      %select_n3A_90 = arith.select %le3A, %sub3A_87, %broadcast_in_dim3A_89 : vector<512x512xi1>, vector<512x512xf32>
      %exp3A = math.exp %select_n3A_90 : vector<512x512xf32>
      %convert_element_type3A_91 = arith.truncf %exp3A : vector<512x512xf32> to vector<512x512xbf16>
      %slice3A_92 = vector.extract_strided_slice %get3A_75 {offsets = [0, 0], sizes = [512, 64], strides = [1, 1]} : vector<512x128xbf16> to vector<512x64xbf16>
      %dot_general3A_93 = arith.constant dense<0.000000e+00> : vector<512x64xf32>
      %dot_general3A_94 = tpu.matmul %convert_element_type3A_91, %slice3A_92, %dot_general3A_93 {dimension_numbers = #tpu.dot_dimension_numbers<[1], [0], [0], [1], [0, 0, 1, 1], [], []>, transpose_lhs_hint = false} : vector<512x512xbf16>, vector<512x64xbf16>, vector<512x64xf32> -> vector<512x64xf32>
      %reduce_sum3A = arith.constant dense<0.000000e+00> : vector<512xf32>
      %reduce_sum3A_95 = vector.multi_reduction <add>, %exp3A, %reduce_sum3A [1] : vector<512x512xf32> to vector<512xf32>
      %broadcast_in_dim3A_96 = vector.shape_cast %reduce_sum3A_95 : vector<512xf32> to vector<512x1xf32>
      %slice3A_97 = vector.extract_strided_slice %get3A_70 {offsets = [0, 64], sizes = [512, 64], strides = [1, 1]} : vector<512x128xbf16> to vector<512x64xbf16>
      %dot_general3A_98 = arith.constant dense<0.000000e+00> : vector<512x512xf32>
      %dot_general3A_99 = tpu.matmul %slice3A_16, %slice3A_97, %dot_general3A_98 {dimension_numbers = #tpu.dot_dimension_numbers<[1], [1], [0], [0], [0, 0, 1, 0], [], []>, transpose_lhs_hint = false} : vector<512x64xbf16>, vector<512x64xbf16>, vector<512x512xf32> -> vector<512x512xf32>
      %le3A_100 = arith.cmpi sle, %add3A_79, %add3A_20 : vector<512x512xi32>
      %mul3A_101 = arith.constant 1.250000e-01 : f32
      %mul3A_102 = vector.broadcast %mul3A_101 : f32 to vector<512x512xf32>
      %mul3A_103 = arith.mulf %dot_general3A_99, %mul3A_102 : vector<512x512xf32>
      %sub3A_104 = arith.constant 2.000000e+01 : f32
      %sub3A_105 = vector.broadcast %sub3A_104 : f32 to vector<512x512xf32>
      %sub3A_106 = arith.subf %mul3A_103, %sub3A_105 : vector<512x512xf32>
      %jit3A_107 = arith.constant -1.000000e+30 : f32
      %broadcast_in_dim3A_108 = vector.broadcast %jit3A_107 : f32 to vector<512x512xf32>
      %select_n3A_109 = arith.select %le3A_100, %sub3A_106, %broadcast_in_dim3A_108 : vector<512x512xi1>, vector<512x512xf32>
      %exp3A_110 = math.exp %select_n3A_109 : vector<512x512xf32>
      %convert_element_type3A_111 = arith.truncf %exp3A_110 : vector<512x512xf32> to vector<512x512xbf16>
      %slice3A_112 = vector.extract_strided_slice %get3A_75 {offsets = [0, 64], sizes = [512, 64], strides = [1, 1]} : vector<512x128xbf16> to vector<512x64xbf16>
      %dot_general3A_113 = arith.constant dense<0.000000e+00> : vector<512x64xf32>
      %dot_general3A_114 = tpu.matmul %convert_element_type3A_111, %slice3A_112, %dot_general3A_113 {dimension_numbers = #tpu.dot_dimension_numbers<[1], [0], [0], [1], [0, 0, 1, 1], [], []>, transpose_lhs_hint = false} : vector<512x512xbf16>, vector<512x64xbf16>, vector<512x64xf32> -> vector<512x64xf32>
      %reduce_sum3A_115 = arith.constant dense<0.000000e+00> : vector<512xf32>
      %reduce_sum3A_116 = vector.multi_reduction <add>, %exp3A_110, %reduce_sum3A_115 [1] : vector<512x512xf32> to vector<512xf32>
      %broadcast_in_dim3A_117 = vector.shape_cast %reduce_sum3A_116 : vector<512xf32> to vector<512x1xf32>
      %add3A_118 = arith.addf %while3A_62, %dot_general3A_94 : vector<512x64xf32>
      %add3A_119 = arith.addf %while3A_63, %dot_general3A_114 : vector<512x64xf32>
      %add3A_120 = arith.addf %while3A_64, %broadcast_in_dim3A_96 : vector<512x1xf32>
      %add3A_121 = arith.addf %while3A_65, %broadcast_in_dim3A_117 : vector<512x1xf32>
      scf.yield %add3A_118, %add3A_119, %add3A_120, %add3A_121 : vector<512x64xf32>, vector<512x64xf32>, vector<512x1xf32>, vector<512x1xf32>
    }
    %div3A_53 = vector.broadcast %while3A_52#2 : vector<512x1xf32> to vector<512x64xf32>
    %div3A_54 = arith.divf %while3A_52#0, %div3A_53 : vector<512x64xf32>
    %div3A_55 = vector.broadcast %while3A_52#3 : vector<512x1xf32> to vector<512x64xf32>
    %div3A_56 = arith.divf %while3A_52#1, %div3A_55 : vector<512x64xf32>
    %concatenate3A_57 = tpu.concatenate %div3A_54, %div3A_56 in 1 : vector<512x64xf32>, vector<512x64xf32> -> vector<512x128xf32>
    %convert_element_type3A_58 = arith.truncf %concatenate3A_57 : vector<512x128xf32> to vector<512x128xbf16>
    %swap3A = arith.constant 0 : index
    %swap3A_59 = arith.constant 0 : index
    %swap3A_60 = vector.load %arg7[%swap3A, %swap3A_59] : memref<512x128xbf16, #tpu.memory_space<vmem>>, vector<512x128xbf16>
    tpu.vector_store %arg7[%swap3A, %swap3A_59], %convert_element_type3A_58 {strides = array<i32>} : memref<512x128xbf16, #tpu.memory_space<vmem>>, vector<512x128xbf16>,
    return
  }
  func.func @transform_0(%arg0: i32, %arg1: i32) -> (i32, i32) {
    %c0_i32 = arith.constant 0 : i32
    return %arg1, %arg0 : i32, i32
  }
  func.func @transform_1(%arg0: i32, %arg1: i32) -> (i32, i32) {
    %add3A = arith.constant 6 : i32
    %add3A_0 = arith.addi %add3A, %arg0 : i32
    %c0_i32 = arith.constant 0 : i32
    %c0_i32_1 = arith.constant 0 : i32
    return %c0_i32, %add3A_0 : i32, i32
  }
  func.func @transform_2(%arg0: i32, %arg1: i32) -> (i32, i32) {
    %add3A = arith.constant 12 : i32
    %add3A_0 = arith.addi %add3A, %arg0 : i32
    %c0_i32 = arith.constant 0 : i32
    %c0_i32_1 = arith.constant 0 : i32
    return %c0_i32, %add3A_0 : i32, i32
  }
  func.func @transform_3(%arg0: i32, %arg1: i32) -> (i32, i32) {
    %c0_i32 = arith.constant 0 : i32
    %c0_i32_0 = arith.constant 0 : i32
    return %arg1, %c0_i32 : i32, i32
  }
  func.func @transform_4(%arg0: i32, %arg1: i32) -> (i32, i32) {
    %c0_i32 = arith.constant 0 : i32
    %c0_i32_0 = arith.constant 0 : i32
    %c0_i32_1 = arith.constant 0 : i32
    return %c0_i32, %c0_i32_0 : i32, i32
  }
  func.func @transform_5(%arg0: i32, %arg1: i32) -> (i32, i32) {
    %c0_i32 = arith.constant 0 : i32
    return %arg1, %arg0 : i32, i32
  }
}

module attributes {stable_mosaic.version = 14 : i64} {
  func.func @_post_kernel(%arg0: i32, %arg1: memref<256x768xf32, #tpu.memory_space<vmem>>, %arg2: memref<256x768xbf16, #tpu.memory_space<vmem>>, %arg3: memref<768x768xbf16, #tpu.memory_space<vmem>>, %arg4: memref<1x768xf32, #tpu.memory_space<vmem>>, %arg5: memref<8x768xf32, #tpu.memory_space<vmem>>, %arg6: memref<256x768xf32, #tpu.memory_space<vmem>>, %arg7: memref<256x768xf32, #tpu.memory_space<vmem>>, %arg8: memref<256x8xf32, #tpu.memory_space<vmem>>, %arg9: memref<2048x8xi32, #tpu.memory_space<vmem>>, %arg10: memref<64x8xi32, #tpu.memory_space<vmem>>, %arg11: memref<1x1xf32, #tpu.memory_space<vmem>>, %arg12: memref<1x8xf32, #tpu.memory_space<vmem>>, %arg13: memref<2048x8xi32, #tpu.memory_space<vmem>>) attributes {dimension_semantics = [#tpu.dimension_semantics<arbitrary>], iteration_bounds = array<i64: 8>, scalar_prefetch = 0 : i64, scratch_operands = 2 : i64, tpu.core_type = #tpu.core_type<tc>, window_params = [{transform_indices = @transform_0, window_bounds = array<i64: 256, 768>}, {transform_indices = @transform_1, window_bounds = array<i64: 256, 768>}, {pipeline_mode = #tpu.pipeline_mode<synchronous>, transform_indices = @transform_2, window_bounds = array<i64: 768, 768>}, {pipeline_mode = #tpu.pipeline_mode<synchronous>, transform_indices = @transform_3, window_bounds = array<i64: 1, 768>}, {pipeline_mode = #tpu.pipeline_mode<synchronous>, transform_indices = @transform_4, window_bounds = array<i64: 8, 768>}, {transform_indices = @transform_5, window_bounds = array<i64: 256, 768>}, {transform_indices = @transform_6, window_bounds = array<i64: 256, 768>}, {transform_indices = @transform_7, window_bounds = array<i64: 256, 8>}, {pipeline_mode = #tpu.pipeline_mode<synchronous>, transform_indices = @transform_8, window_bounds = array<i64: 2048, 8>}, {pipeline_mode = #tpu.pipeline_mode<synchronous>, transform_indices = @transform_9, window_bounds = array<i64: 64, 8>}, {pipeline_mode = #tpu.pipeline_mode<synchronous>, transform_indices = @transform_10, window_bounds = array<i64: 1, 1>}]} {
    %get3A = arith.constant 0 : index
    %get3A_0 = arith.constant 0 : index
    %get3A_1 = vector.load %arg1[%get3A, %get3A_0] : memref<256x768xf32, #tpu.memory_space<vmem>>, vector<256x768xf32>
    %get3A_2 = arith.constant 0 : index
    %get3A_3 = arith.constant 0 : index
    %get3A_4 = vector.load %arg2[%get3A_2, %get3A_3] : memref<256x768xbf16, #tpu.memory_space<vmem>>, vector<256x768xbf16>
    %get3A_5 = arith.constant 0 : index
    %get3A_6 = arith.constant 0 : index
    %get3A_7 = vector.load %arg3[%get3A_5, %get3A_6] : memref<768x768xbf16, #tpu.memory_space<vmem>>, vector<768x768xbf16>
    %dot_general3A = arith.constant dense<0.000000e+00> : vector<256x768xf32>
    %dot_general3A_8 = tpu.matmul %get3A_4, %get3A_7, %dot_general3A {dimension_numbers = #tpu.dot_dimension_numbers<[1], [1], [0], [0], [0, 0, 1, 0], [], []>, transpose_lhs_hint = false} : vector<256x768xbf16>, vector<768x768xbf16>, vector<256x768xf32> -> vector<256x768xf32>
    %add3A = arith.addf %get3A_1, %dot_general3A_8 : vector<256x768xf32>
    %swap3A = arith.constant 0 : index
    %swap3A_9 = arith.constant 0 : index
    %swap3A_10 = vector.load %arg6[%swap3A, %swap3A_9] : memref<256x768xf32, #tpu.memory_space<vmem>>, vector<256x768xf32>
    tpu.vector_store %arg6[%swap3A, %swap3A_9], %add3A {strides = array<i32>} : memref<256x768xf32, #tpu.memory_space<vmem>>, vector<256x768xf32>,
    %mul3A = arith.mulf %add3A, %add3A : vector<256x768xf32>
    %reduce_sum3A = arith.constant dense<0.000000e+00> : vector<256xf32>
    %reduce_sum3A_11 = vector.multi_reduction <add>, %mul3A, %reduce_sum3A [1] : vector<256x768xf32> to vector<256xf32>
    %broadcast_in_dim3A = vector.shape_cast %reduce_sum3A_11 : vector<256xf32> to vector<256x1xf32>
    %div3A = arith.constant 7.680000e+02 : f32
    %div3A_12 = vector.broadcast %div3A : f32 to vector<256x1xf32>
    %div3A_13 = arith.divf %broadcast_in_dim3A, %div3A_12 : vector<256x1xf32>
    %add3A_14 = arith.constant 1.1920929E-7 : f32
    %add3A_15 = vector.broadcast %add3A_14 : f32 to vector<256x1xf32>
    %add3A_16 = arith.addf %div3A_13, %add3A_15 : vector<256x1xf32>
    %rsqrt3A = math.rsqrt %add3A_16 : vector<256x1xf32>
    %mul3A_17 = vector.broadcast %rsqrt3A : vector<256x1xf32> to vector<256x768xf32>
    %mul3A_18 = arith.mulf %add3A, %mul3A_17 : vector<256x768xf32>
    %get3A_19 = arith.constant 0 : index
    %get3A_20 = arith.constant 0 : index
    %get3A_21 = vector.load %arg4[%get3A_19, %get3A_20] : memref<1x768xf32, #tpu.memory_space<vmem>>, vector<1x768xf32>
    %mul3A_22 = vector.broadcast %get3A_21 : vector<1x768xf32> to vector<256x768xf32>
    %mul3A_23 = arith.mulf %mul3A_18, %mul3A_22 : vector<256x768xf32>
    %swap3A_24 = arith.constant 0 : index
    %swap3A_25 = arith.constant 0 : index
    %swap3A_26 = vector.load %arg7[%swap3A_24, %swap3A_25] : memref<256x768xf32, #tpu.memory_space<vmem>>, vector<256x768xf32>
    tpu.vector_store %arg7[%swap3A_24, %swap3A_25], %mul3A_23 {strides = array<i32>} : memref<256x768xf32, #tpu.memory_space<vmem>>, vector<256x768xf32>,
    %get3A_27 = arith.constant 0 : index
    %get3A_28 = arith.constant 0 : index
    %get3A_29 = vector.load %arg5[%get3A_27, %get3A_28] : memref<8x768xf32, #tpu.memory_space<vmem>>, vector<8x768xf32>
    %dot_general3A_30 = arith.constant dense<0.000000e+00> : vector<256x8xf32>
    %dot_general3A_31 = tpu.matmul %mul3A_23, %get3A_29, %dot_general3A_30 {dimension_numbers = #tpu.dot_dimension_numbers<[1], [1], [0], [0], [0, 0, 1, 0], [], []>, transpose_lhs_hint = false} : vector<256x768xf32>, vector<8x768xf32>, vector<256x8xf32> -> vector<256x8xf32>
    %iota3A = tpu.iota {dimensions = array<i32: 1>} : vector<256x8xi32>
    %reduce_max3A = arith.constant dense<0xFF800000> : vector<256xf32>
    %reduce_max3A_32 = vector.multi_reduction <maximumf>, %dot_general3A_31, %reduce_max3A [1] : vector<256x8xf32> to vector<256xf32>
    %broadcast_in_dim3A_33 = vector.shape_cast %reduce_max3A_32 : vector<256xf32> to vector<256x1xf32>
    %sub3A = vector.broadcast %broadcast_in_dim3A_33 : vector<256x1xf32> to vector<256x8xf32>
    %sub3A_34 = arith.subf %dot_general3A_31, %sub3A : vector<256x8xf32>
    %exp3A = math.exp %sub3A_34 : vector<256x8xf32>
    %reduce_sum3A_35 = arith.constant dense<0.000000e+00> : vector<256xf32>
    %reduce_sum3A_36 = vector.multi_reduction <add>, %exp3A, %reduce_sum3A_35 [1] : vector<256x8xf32> to vector<256xf32>
    %broadcast_in_dim3A_37 = vector.shape_cast %reduce_sum3A_36 : vector<256xf32> to vector<256x1xf32>
    %div3A_38 = vector.broadcast %broadcast_in_dim3A_37 : vector<256x1xf32> to vector<256x8xf32>
    %div3A_39 = arith.divf %exp3A, %div3A_38 : vector<256x8xf32>
    %eq3A = arith.constant 0 : i32
    %eq3A_40 = arith.cmpi eq, %arg0, %eq3A : i32
    %convert_element_type3A = arith.extui %eq3A_40 : i1 to i32
    %cond3A = arith.constant 0 : i32
    %cond3A_41 = arith.cmpi ne, %convert_element_type3A, %cond3A : i32
    scf.if %cond3A_41 {
      %broadcast_in_dim3A_131 = arith.constant 0.000000e+00 : f32
      %broadcast_in_dim3A_132 = vector.broadcast %broadcast_in_dim3A_131 : f32 to vector<1x8xf32>
      %swap3A_133 = arith.constant 0 : index
      %swap3A_134 = arith.constant 0 : index
      %swap3A_135 = vector.load %arg12[%swap3A_133, %swap3A_134] : memref<1x8xf32, #tpu.memory_space<vmem>>, vector<1x8xf32>
      tpu.vector_store %arg12[%swap3A_133, %swap3A_134], %broadcast_in_dim3A_132 {strides = array<i32>} : memref<1x8xf32, #tpu.memory_space<vmem>>, vector<1x8xf32>,
    } else {
    }
    %get3A_42 = arith.constant 0 : index
    %get3A_43 = arith.constant 0 : index
    %get3A_44 = vector.load %arg12[%get3A_42, %get3A_43] : memref<1x8xf32, #tpu.memory_space<vmem>>, vector<1x8xf32>
    %reduce_sum3A_45 = arith.constant dense<0.000000e+00> : vector<8xf32>
    %reduce_sum3A_46 = vector.multi_reduction <add>, %div3A_39, %reduce_sum3A_45 [0] : vector<256x8xf32> to vector<8xf32>
    %broadcast_in_dim3A_47 = vector.shape_cast %reduce_sum3A_46 : vector<8xf32> to vector<1x8xf32>
    %add3A_48 = arith.addf %get3A_44, %broadcast_in_dim3A_47 : vector<1x8xf32>
    %swap3A_49 = arith.constant 0 : index
    %swap3A_50 = arith.constant 0 : index
    %swap3A_51 = vector.load %arg12[%swap3A_49, %swap3A_50] : memref<1x8xf32, #tpu.memory_space<vmem>>, vector<1x8xf32>
    tpu.vector_store %arg12[%swap3A_49, %swap3A_50], %add3A_48 {strides = array<i32>} : memref<1x8xf32, #tpu.memory_space<vmem>>, vector<1x8xf32>,
    %eq3A_52 = arith.constant 7 : i32
    %eq3A_53 = arith.cmpi eq, %arg0, %eq3A_52 : i32
    %convert_element_type3A_54 = arith.extui %eq3A_53 : i1 to i32
    %cond3A_55 = arith.constant 0 : i32
    %cond3A_56 = arith.cmpi ne, %convert_element_type3A_54, %cond3A_55 : i32
    scf.if %cond3A_56 {
      %get3A_131 = arith.constant 0 : index
      %get3A_132 = arith.constant 0 : index
      %get3A_133 = vector.load %arg12[%get3A_131, %get3A_132] : memref<1x8xf32, #tpu.memory_space<vmem>>, vector<1x8xf32>
      %div3A_134 = arith.constant 2.048000e+03 : f32
      %div3A_135 = vector.broadcast %div3A_134 : f32 to vector<1x8xf32>
      %div3A_136 = arith.divf %get3A_133, %div3A_135 : vector<1x8xf32>
      %mul3A_137 = arith.mulf %div3A_136, %div3A_136 : vector<1x8xf32>
      %reduce_sum3A_138 = arith.constant dense<0.000000e+00> : vector<1xf32>
      %reduce_sum3A_139 = vector.multi_reduction <add>, %mul3A_137, %reduce_sum3A_138 [1] : vector<1x8xf32> to vector<1xf32>
      %broadcast_in_dim3A_140 = vector.shape_cast %reduce_sum3A_139 : vector<1xf32> to vector<1x1xf32>
      %mul3A_141 = arith.constant 8.000000e+00 : f32
      %mul3A_142 = vector.broadcast %mul3A_141 : f32 to vector<1x1xf32>
      %mul3A_143 = arith.mulf %broadcast_in_dim3A_140, %mul3A_142 : vector<1x1xf32>
      %swap3A_144 = arith.constant 0 : index
      %swap3A_145 = arith.constant 0 : index
      %swap3A_146 = vector.load %arg11[%swap3A_144, %swap3A_145] : memref<1x1xf32, #tpu.memory_space<vmem>>, vector<1x1xf32>
      tpu.vector_store %arg11[%swap3A_144, %swap3A_145], %mul3A_143 {strides = array<i32>} : memref<1x1xf32, #tpu.memory_space<vmem>>, vector<1x1xf32>,
    } else {
    }
    %reduce_max3A_57 = arith.constant dense<0xFF800000> : vector<256xf32>
    %reduce_max3A_58 = vector.multi_reduction <maximumf>, %div3A_39, %reduce_max3A_57 [1] : vector<256x8xf32> to vector<256xf32>
    %broadcast_in_dim3A_59 = vector.shape_cast %reduce_max3A_58 : vector<256xf32> to vector<256x1xf32>
    %eq3A_60 = vector.broadcast %broadcast_in_dim3A_59 : vector<256x1xf32> to vector<256x8xf32>
    %eq3A_61 = arith.cmpf oeq, %div3A_39, %eq3A_60 : vector<256x8xf32>
    %jit3A = arith.constant 8 : i32
    %broadcast_in_dim3A_62 = vector.broadcast %jit3A : i32 to vector<256x8xi32>
    %select_n3A = arith.select %eq3A_61, %iota3A, %broadcast_in_dim3A_62 : vector<256x8xi1>, vector<256x8xi32>
    %reduce_min3A = arith.constant dense<2147483647> : vector<256xi32>
    %reduce_min3A_63 = vector.multi_reduction <minsi>, %select_n3A, %reduce_min3A [1] : vector<256x8xi32> to vector<256xi32>
    %broadcast_in_dim3A_64 = vector.shape_cast %reduce_min3A_63 : vector<256xi32> to vector<256x1xi32>
    %eq3A_65 = vector.broadcast %broadcast_in_dim3A_64 : vector<256x1xi32> to vector<256x8xi32>
    %eq3A_66 = arith.cmpi eq, %iota3A, %eq3A_65 : vector<256x8xi32>
    %jit3A_67 = arith.constant -1.000000e+00 : f32
    %broadcast_in_dim3A_68 = vector.broadcast %jit3A_67 : f32 to vector<256x8xf32>
    %select_n3A_69 = arith.select %eq3A_66, %broadcast_in_dim3A_68, %div3A_39 : vector<256x8xi1>, vector<256x8xf32>
    %reduce_max3A_70 = arith.constant dense<0xFF800000> : vector<256xf32>
    %reduce_max3A_71 = vector.multi_reduction <maximumf>, %select_n3A_69, %reduce_max3A_70 [1] : vector<256x8xf32> to vector<256xf32>
    %broadcast_in_dim3A_72 = vector.shape_cast %reduce_max3A_71 : vector<256xf32> to vector<256x1xf32>
    %eq3A_73 = vector.broadcast %broadcast_in_dim3A_72 : vector<256x1xf32> to vector<256x8xf32>
    %eq3A_74 = arith.cmpf oeq, %select_n3A_69, %eq3A_73 : vector<256x8xf32>
    %jit3A_75 = arith.constant 8 : i32
    %broadcast_in_dim3A_76 = vector.broadcast %jit3A_75 : i32 to vector<256x8xi32>
    %select_n3A_77 = arith.select %eq3A_74, %iota3A, %broadcast_in_dim3A_76 : vector<256x8xi1>, vector<256x8xi32>
    %reduce_min3A_78 = arith.constant dense<2147483647> : vector<256xi32>
    %reduce_min3A_79 = vector.multi_reduction <minsi>, %select_n3A_77, %reduce_min3A_78 [1] : vector<256x8xi32> to vector<256xi32>
    %broadcast_in_dim3A_80 = vector.shape_cast %reduce_min3A_79 : vector<256xi32> to vector<256x1xi32>
    %add3A_81 = arith.addf %broadcast_in_dim3A_59, %broadcast_in_dim3A_72 : vector<256x1xf32>
    %div3A_82 = arith.divf %broadcast_in_dim3A_59, %add3A_81 : vector<256x1xf32>
    %div3A_83 = arith.divf %broadcast_in_dim3A_72, %add3A_81 : vector<256x1xf32>
    %eq3A_84 = arith.constant 0 : i32
    %eq3A_85 = vector.broadcast %eq3A_84 : i32 to vector<256x8xi32>
    %eq3A_86 = arith.cmpi eq, %iota3A, %eq3A_85 : vector<256x8xi32>
    %jit3A_87 = arith.constant 0.000000e+00 : f32
    %broadcast_in_dim3A_88 = vector.shape_cast %div3A_82 : vector<256x1xf32> to vector<256x1xf32>
    %broadcast_in_dim3A_89 = vector.broadcast %broadcast_in_dim3A_88 : vector<256x1xf32> to vector<256x8xf32>
    %broadcast_in_dim3A_90 = vector.broadcast %jit3A_87 : f32 to vector<256x8xf32>
    %select_n3A_91 = arith.select %eq3A_86, %broadcast_in_dim3A_89, %broadcast_in_dim3A_90 : vector<256x8xi1>, vector<256x8xf32>
    %eq3A_92 = arith.constant 1 : i32
    %eq3A_93 = vector.broadcast %eq3A_92 : i32 to vector<256x8xi32>
    %eq3A_94 = arith.cmpi eq, %iota3A, %eq3A_93 : vector<256x8xi32>
    %jit3A_95 = arith.constant 0.000000e+00 : f32
    %broadcast_in_dim3A_96 = vector.shape_cast %div3A_83 : vector<256x1xf32> to vector<256x1xf32>
    %broadcast_in_dim3A_97 = vector.broadcast %broadcast_in_dim3A_96 : vector<256x1xf32> to vector<256x8xf32>
    %broadcast_in_dim3A_98 = vector.broadcast %jit3A_95 : f32 to vector<256x8xf32>
    %select_n3A_99 = arith.select %eq3A_94, %broadcast_in_dim3A_97, %broadcast_in_dim3A_98 : vector<256x8xi1>, vector<256x8xf32>
    %add3A_100 = arith.addf %select_n3A_91, %select_n3A_99 : vector<256x8xf32>
    %swap3A_101 = arith.constant 0 : index
    %swap3A_102 = arith.constant 0 : index
    %swap3A_103 = vector.load %arg8[%swap3A_101, %swap3A_102] : memref<256x8xf32, #tpu.memory_space<vmem>>, vector<256x8xf32>
    tpu.vector_store %arg8[%swap3A_101, %swap3A_102], %add3A_100 {strides = array<i32>} : memref<256x8xf32, #tpu.memory_space<vmem>>, vector<256x8xf32>,
    %eq3A_104 = arith.constant 0 : i32
    %eq3A_105 = vector.broadcast %eq3A_104 : i32 to vector<256x8xi32>
    %eq3A_106 = arith.cmpi eq, %iota3A, %eq3A_105 : vector<256x8xi32>
    %jit3A_107 = arith.constant 0 : i32
    %broadcast_in_dim3A_108 = vector.shape_cast %broadcast_in_dim3A_64 : vector<256x1xi32> to vector<256x1xi32>
    %broadcast_in_dim3A_109 = vector.broadcast %broadcast_in_dim3A_108 : vector<256x1xi32> to vector<256x8xi32>
    %broadcast_in_dim3A_110 = vector.broadcast %jit3A_107 : i32 to vector<256x8xi32>
    %select_n3A_111 = arith.select %eq3A_106, %broadcast_in_dim3A_109, %broadcast_in_dim3A_110 : vector<256x8xi1>, vector<256x8xi32>
    %eq3A_112 = arith.constant 1 : i32
    %eq3A_113 = vector.broadcast %eq3A_112 : i32 to vector<256x8xi32>
    %eq3A_114 = arith.cmpi eq, %iota3A, %eq3A_113 : vector<256x8xi32>
    %jit3A_115 = arith.constant 0 : i32
    %broadcast_in_dim3A_116 = vector.shape_cast %broadcast_in_dim3A_80 : vector<256x1xi32> to vector<256x1xi32>
    %broadcast_in_dim3A_117 = vector.broadcast %broadcast_in_dim3A_116 : vector<256x1xi32> to vector<256x8xi32>
    %broadcast_in_dim3A_118 = vector.broadcast %jit3A_115 : i32 to vector<256x8xi32>
    %select_n3A_119 = arith.select %eq3A_114, %broadcast_in_dim3A_117, %broadcast_in_dim3A_118 : vector<256x8xi1>, vector<256x8xi32>
    %add3A_120 = arith.addi %select_n3A_111, %select_n3A_119 : vector<256x8xi32>
    %mul3A_121 = arith.constant 256 : i32
    %mul3A_122 = arith.muli %arg0, %mul3A_121 : i32
    %swap3A_123 = arith.index_cast %mul3A_122 : i32 to index
    %swap3A_124 = arith.constant 0 : index
    %swap3A_125 = vector.load %arg13[%swap3A_123, %swap3A_124] : memref<2048x8xi32, #tpu.memory_space<vmem>>, vector<256x8xi32>
    tpu.vector_store %arg13[%swap3A_123, %swap3A_124], %add3A_120 {strides = array<i32>} : memref<2048x8xi32, #tpu.memory_space<vmem>>, vector<256x8xi32>,
    %eq3A_126 = arith.constant 7 : i32
    %eq3A_127 = arith.cmpi eq, %arg0, %eq3A_126 : i32
    %convert_element_type3A_128 = arith.extui %eq3A_127 : i1 to i32
    %cond3A_129 = arith.constant 0 : i32
    %cond3A_130 = arith.cmpi ne, %convert_element_type3A_128, %cond3A_129 : i32
    scf.if %cond3A_130 {
      %get3A_131 = arith.constant 0 : index
      %get3A_132 = arith.constant 0 : index
      %get3A_133 = vector.load %arg13[%get3A_131, %get3A_132] : memref<2048x8xi32, #tpu.memory_space<vmem>>, vector<2048x8xi32>
      %iota3A_134 = tpu.iota {dimensions = array<i32: 1>} : vector<2048x8xi32>
      %slice3A = vector.extract_strided_slice %get3A_133 {offsets = [0, 0], sizes = [2048, 1], strides = [1, 1]} : vector<2048x8xi32> to vector<2048x1xi32>
      %slice3A_135 = vector.extract_strided_slice %get3A_133 {offsets = [0, 1], sizes = [2048, 1], strides = [1, 1]} : vector<2048x8xi32> to vector<2048x1xi32>
      %eq3A_136 = vector.broadcast %slice3A : vector<2048x1xi32> to vector<2048x8xi32>
      %eq3A_137 = arith.cmpi eq, %iota3A_134, %eq3A_136 : vector<2048x8xi32>
      %jit3A_138 = arith.constant 1 : i32
      %jit3A_139 = arith.constant 0 : i32
      %broadcast_in_dim3A_140 = vector.broadcast %jit3A_138 : i32 to vector<2048x8xi32>
      %broadcast_in_dim3A_141 = vector.broadcast %jit3A_139 : i32 to vector<2048x8xi32>
      %select_n3A_142 = arith.select %eq3A_137, %broadcast_in_dim3A_140, %broadcast_in_dim3A_141 : vector<2048x8xi1>, vector<2048x8xi32>
      %eq3A_143 = vector.broadcast %slice3A_135 : vector<2048x1xi32> to vector<2048x8xi32>
      %eq3A_144 = arith.cmpi eq, %iota3A_134, %eq3A_143 : vector<2048x8xi32>
      %jit3A_145 = arith.constant 1 : i32
      %jit3A_146 = arith.constant 0 : i32
      %broadcast_in_dim3A_147 = vector.broadcast %jit3A_145 : i32 to vector<2048x8xi32>
      %broadcast_in_dim3A_148 = vector.broadcast %jit3A_146 : i32 to vector<2048x8xi32>
      %select_n3A_149 = arith.select %eq3A_144, %broadcast_in_dim3A_147, %broadcast_in_dim3A_148 : vector<2048x8xi1>, vector<2048x8xi32>
      %broadcast_in_dim3A_150 = arith.constant 0 : i32
      %broadcast_in_dim3A_151 = vector.broadcast %broadcast_in_dim3A_150 : i32 to vector<1x8xi32>
      %slice3A_152 = vector.extract_strided_slice %select_n3A_142 {offsets = [0, 0], sizes = [2047, 8], strides = [1, 1]} : vector<2048x8xi32> to vector<2047x8xi32>
      %concatenate3A = tpu.concatenate %broadcast_in_dim3A_151, %slice3A_152 in 0 : vector<1x8xi32>, vector<2047x8xi32> -> vector<2048x8xi32>
      %add3A_153 = arith.addi %select_n3A_142, %concatenate3A : vector<2048x8xi32>
      %broadcast_in_dim3A_154 = arith.constant 0 : i32
      %broadcast_in_dim3A_155 = vector.broadcast %broadcast_in_dim3A_154 : i32 to vector<2x8xi32>
      %slice3A_156 = vector.extract_strided_slice %add3A_153 {offsets = [0, 0], sizes = [2046, 8], strides = [1, 1]} : vector<2048x8xi32> to vector<2046x8xi32>
      %concatenate3A_157 = tpu.concatenate %broadcast_in_dim3A_155, %slice3A_156 in 0 : vector<2x8xi32>, vector<2046x8xi32> -> vector<2048x8xi32>
      %add3A_158 = arith.addi %add3A_153, %concatenate3A_157 : vector<2048x8xi32>
      %broadcast_in_dim3A_159 = arith.constant 0 : i32
      %broadcast_in_dim3A_160 = vector.broadcast %broadcast_in_dim3A_159 : i32 to vector<4x8xi32>
      %slice3A_161 = vector.extract_strided_slice %add3A_158 {offsets = [0, 0], sizes = [2044, 8], strides = [1, 1]} : vector<2048x8xi32> to vector<2044x8xi32>
      %concatenate3A_162 = tpu.concatenate %broadcast_in_dim3A_160, %slice3A_161 in 0 : vector<4x8xi32>, vector<2044x8xi32> -> vector<2048x8xi32>
      %add3A_163 = arith.addi %add3A_158, %concatenate3A_162 : vector<2048x8xi32>
      %broadcast_in_dim3A_164 = arith.constant 0 : i32
      %broadcast_in_dim3A_165 = vector.broadcast %broadcast_in_dim3A_164 : i32 to vector<8x8xi32>
      %slice3A_166 = vector.extract_strided_slice %add3A_163 {offsets = [0, 0], sizes = [2040, 8], strides = [1, 1]} : vector<2048x8xi32> to vector<2040x8xi32>
      %concatenate3A_167 = tpu.concatenate %broadcast_in_dim3A_165, %slice3A_166 in 0 : vector<8x8xi32>, vector<2040x8xi32> -> vector<2048x8xi32>
      %add3A_168 = arith.addi %add3A_163, %concatenate3A_167 : vector<2048x8xi32>
      %broadcast_in_dim3A_169 = arith.constant 0 : i32
      %broadcast_in_dim3A_170 = vector.broadcast %broadcast_in_dim3A_169 : i32 to vector<16x8xi32>
      %slice3A_171 = vector.extract_strided_slice %add3A_168 {offsets = [0, 0], sizes = [2032, 8], strides = [1, 1]} : vector<2048x8xi32> to vector<2032x8xi32>
      %concatenate3A_172 = tpu.concatenate %broadcast_in_dim3A_170, %slice3A_171 in 0 : vector<16x8xi32>, vector<2032x8xi32> -> vector<2048x8xi32>
      %add3A_173 = arith.addi %add3A_168, %concatenate3A_172 : vector<2048x8xi32>
      %broadcast_in_dim3A_174 = arith.constant 0 : i32
      %broadcast_in_dim3A_175 = vector.broadcast %broadcast_in_dim3A_174 : i32 to vector<32x8xi32>
      %slice3A_176 = vector.extract_strided_slice %add3A_173 {offsets = [0, 0], sizes = [2016, 8], strides = [1, 1]} : vector<2048x8xi32> to vector<2016x8xi32>
      %concatenate3A_177 = tpu.concatenate %broadcast_in_dim3A_175, %slice3A_176 in 0 : vector<32x8xi32>, vector<2016x8xi32> -> vector<2048x8xi32>
      %add3A_178 = arith.addi %add3A_173, %concatenate3A_177 : vector<2048x8xi32>
      %broadcast_in_dim3A_179 = arith.constant 0 : i32
      %broadcast_in_dim3A_180 = vector.broadcast %broadcast_in_dim3A_179 : i32 to vector<64x8xi32>
      %slice3A_181 = vector.extract_strided_slice %add3A_178 {offsets = [0, 0], sizes = [1984, 8], strides = [1, 1]} : vector<2048x8xi32> to vector<1984x8xi32>
      %concatenate3A_182 = tpu.concatenate %broadcast_in_dim3A_180, %slice3A_181 in 0 : vector<64x8xi32>, vector<1984x8xi32> -> vector<2048x8xi32>
      %add3A_183 = arith.addi %add3A_178, %concatenate3A_182 : vector<2048x8xi32>
      %broadcast_in_dim3A_184 = arith.constant 0 : i32
      %broadcast_in_dim3A_185 = vector.broadcast %broadcast_in_dim3A_184 : i32 to vector<128x8xi32>
      %slice3A_186 = vector.extract_strided_slice %add3A_183 {offsets = [0, 0], sizes = [1920, 8], strides = [1, 1]} : vector<2048x8xi32> to vector<1920x8xi32>
      %concatenate3A_187 = tpu.concatenate %broadcast_in_dim3A_185, %slice3A_186 in 0 : vector<128x8xi32>, vector<1920x8xi32> -> vector<2048x8xi32>
      %add3A_188 = arith.addi %add3A_183, %concatenate3A_187 : vector<2048x8xi32>
      %broadcast_in_dim3A_189 = arith.constant 0 : i32
      %broadcast_in_dim3A_190 = vector.broadcast %broadcast_in_dim3A_189 : i32 to vector<256x8xi32>
      %slice3A_191 = vector.extract_strided_slice %add3A_188 {offsets = [0, 0], sizes = [1792, 8], strides = [1, 1]} : vector<2048x8xi32> to vector<1792x8xi32>
      %concatenate3A_192 = tpu.concatenate %broadcast_in_dim3A_190, %slice3A_191 in 0 : vector<256x8xi32>, vector<1792x8xi32> -> vector<2048x8xi32>
      %add3A_193 = arith.addi %add3A_188, %concatenate3A_192 : vector<2048x8xi32>
      %broadcast_in_dim3A_194 = arith.constant 0 : i32
      %broadcast_in_dim3A_195 = vector.broadcast %broadcast_in_dim3A_194 : i32 to vector<512x8xi32>
      %slice3A_196 = vector.extract_strided_slice %add3A_193 {offsets = [0, 0], sizes = [1536, 8], strides = [1, 1]} : vector<2048x8xi32> to vector<1536x8xi32>
      %concatenate3A_197 = tpu.concatenate %broadcast_in_dim3A_195, %slice3A_196 in 0 : vector<512x8xi32>, vector<1536x8xi32> -> vector<2048x8xi32>
      %add3A_198 = arith.addi %add3A_193, %concatenate3A_197 : vector<2048x8xi32>
      %broadcast_in_dim3A_199 = arith.constant 0 : i32
      %broadcast_in_dim3A_200 = vector.broadcast %broadcast_in_dim3A_199 : i32 to vector<1024x8xi32>
      %slice3A_201 = vector.extract_strided_slice %add3A_198 {offsets = [0, 0], sizes = [1024, 8], strides = [1, 1]} : vector<2048x8xi32> to vector<1024x8xi32>
      %concatenate3A_202 = tpu.concatenate %broadcast_in_dim3A_200, %slice3A_201 in 0 : vector<1024x8xi32>, vector<1024x8xi32> -> vector<2048x8xi32>
      %add3A_203 = arith.addi %add3A_198, %concatenate3A_202 : vector<2048x8xi32>
      %broadcast_in_dim3A_204 = arith.constant 0 : i32
      %broadcast_in_dim3A_205 = vector.broadcast %broadcast_in_dim3A_204 : i32 to vector<1x8xi32>
      %slice3A_206 = vector.extract_strided_slice %select_n3A_149 {offsets = [0, 0], sizes = [2047, 8], strides = [1, 1]} : vector<2048x8xi32> to vector<2047x8xi32>
      %concatenate3A_207 = tpu.concatenate %broadcast_in_dim3A_205, %slice3A_206 in 0 : vector<1x8xi32>, vector<2047x8xi32> -> vector<2048x8xi32>
      %add3A_208 = arith.addi %select_n3A_149, %concatenate3A_207 : vector<2048x8xi32>
      %broadcast_in_dim3A_209 = arith.constant 0 : i32
      %broadcast_in_dim3A_210 = vector.broadcast %broadcast_in_dim3A_209 : i32 to vector<2x8xi32>
      %slice3A_211 = vector.extract_strided_slice %add3A_208 {offsets = [0, 0], sizes = [2046, 8], strides = [1, 1]} : vector<2048x8xi32> to vector<2046x8xi32>
      %concatenate3A_212 = tpu.concatenate %broadcast_in_dim3A_210, %slice3A_211 in 0 : vector<2x8xi32>, vector<2046x8xi32> -> vector<2048x8xi32>
      %add3A_213 = arith.addi %add3A_208, %concatenate3A_212 : vector<2048x8xi32>
      %broadcast_in_dim3A_214 = arith.constant 0 : i32
      %broadcast_in_dim3A_215 = vector.broadcast %broadcast_in_dim3A_214 : i32 to vector<4x8xi32>
      %slice3A_216 = vector.extract_strided_slice %add3A_213 {offsets = [0, 0], sizes = [2044, 8], strides = [1, 1]} : vector<2048x8xi32> to vector<2044x8xi32>
      %concatenate3A_217 = tpu.concatenate %broadcast_in_dim3A_215, %slice3A_216 in 0 : vector<4x8xi32>, vector<2044x8xi32> -> vector<2048x8xi32>
      %add3A_218 = arith.addi %add3A_213, %concatenate3A_217 : vector<2048x8xi32>
      %broadcast_in_dim3A_219 = arith.constant 0 : i32
      %broadcast_in_dim3A_220 = vector.broadcast %broadcast_in_dim3A_219 : i32 to vector<8x8xi32>
      %slice3A_221 = vector.extract_strided_slice %add3A_218 {offsets = [0, 0], sizes = [2040, 8], strides = [1, 1]} : vector<2048x8xi32> to vector<2040x8xi32>
      %concatenate3A_222 = tpu.concatenate %broadcast_in_dim3A_220, %slice3A_221 in 0 : vector<8x8xi32>, vector<2040x8xi32> -> vector<2048x8xi32>
      %add3A_223 = arith.addi %add3A_218, %concatenate3A_222 : vector<2048x8xi32>
      %broadcast_in_dim3A_224 = arith.constant 0 : i32
      %broadcast_in_dim3A_225 = vector.broadcast %broadcast_in_dim3A_224 : i32 to vector<16x8xi32>
      %slice3A_226 = vector.extract_strided_slice %add3A_223 {offsets = [0, 0], sizes = [2032, 8], strides = [1, 1]} : vector<2048x8xi32> to vector<2032x8xi32>
      %concatenate3A_227 = tpu.concatenate %broadcast_in_dim3A_225, %slice3A_226 in 0 : vector<16x8xi32>, vector<2032x8xi32> -> vector<2048x8xi32>
      %add3A_228 = arith.addi %add3A_223, %concatenate3A_227 : vector<2048x8xi32>
      %broadcast_in_dim3A_229 = arith.constant 0 : i32
      %broadcast_in_dim3A_230 = vector.broadcast %broadcast_in_dim3A_229 : i32 to vector<32x8xi32>
      %slice3A_231 = vector.extract_strided_slice %add3A_228 {offsets = [0, 0], sizes = [2016, 8], strides = [1, 1]} : vector<2048x8xi32> to vector<2016x8xi32>
      %concatenate3A_232 = tpu.concatenate %broadcast_in_dim3A_230, %slice3A_231 in 0 : vector<32x8xi32>, vector<2016x8xi32> -> vector<2048x8xi32>
      %add3A_233 = arith.addi %add3A_228, %concatenate3A_232 : vector<2048x8xi32>
      %broadcast_in_dim3A_234 = arith.constant 0 : i32
      %broadcast_in_dim3A_235 = vector.broadcast %broadcast_in_dim3A_234 : i32 to vector<64x8xi32>
      %slice3A_236 = vector.extract_strided_slice %add3A_233 {offsets = [0, 0], sizes = [1984, 8], strides = [1, 1]} : vector<2048x8xi32> to vector<1984x8xi32>
      %concatenate3A_237 = tpu.concatenate %broadcast_in_dim3A_235, %slice3A_236 in 0 : vector<64x8xi32>, vector<1984x8xi32> -> vector<2048x8xi32>
      %add3A_238 = arith.addi %add3A_233, %concatenate3A_237 : vector<2048x8xi32>
      %broadcast_in_dim3A_239 = arith.constant 0 : i32
      %broadcast_in_dim3A_240 = vector.broadcast %broadcast_in_dim3A_239 : i32 to vector<128x8xi32>
      %slice3A_241 = vector.extract_strided_slice %add3A_238 {offsets = [0, 0], sizes = [1920, 8], strides = [1, 1]} : vector<2048x8xi32> to vector<1920x8xi32>
      %concatenate3A_242 = tpu.concatenate %broadcast_in_dim3A_240, %slice3A_241 in 0 : vector<128x8xi32>, vector<1920x8xi32> -> vector<2048x8xi32>
      %add3A_243 = arith.addi %add3A_238, %concatenate3A_242 : vector<2048x8xi32>
      %broadcast_in_dim3A_244 = arith.constant 0 : i32
      %broadcast_in_dim3A_245 = vector.broadcast %broadcast_in_dim3A_244 : i32 to vector<256x8xi32>
      %slice3A_246 = vector.extract_strided_slice %add3A_243 {offsets = [0, 0], sizes = [1792, 8], strides = [1, 1]} : vector<2048x8xi32> to vector<1792x8xi32>
      %concatenate3A_247 = tpu.concatenate %broadcast_in_dim3A_245, %slice3A_246 in 0 : vector<256x8xi32>, vector<1792x8xi32> -> vector<2048x8xi32>
      %add3A_248 = arith.addi %add3A_243, %concatenate3A_247 : vector<2048x8xi32>
      %broadcast_in_dim3A_249 = arith.constant 0 : i32
      %broadcast_in_dim3A_250 = vector.broadcast %broadcast_in_dim3A_249 : i32 to vector<512x8xi32>
      %slice3A_251 = vector.extract_strided_slice %add3A_248 {offsets = [0, 0], sizes = [1536, 8], strides = [1, 1]} : vector<2048x8xi32> to vector<1536x8xi32>
      %concatenate3A_252 = tpu.concatenate %broadcast_in_dim3A_250, %slice3A_251 in 0 : vector<512x8xi32>, vector<1536x8xi32> -> vector<2048x8xi32>
      %add3A_253 = arith.addi %add3A_248, %concatenate3A_252 : vector<2048x8xi32>
      %broadcast_in_dim3A_254 = arith.constant 0 : i32
      %broadcast_in_dim3A_255 = vector.broadcast %broadcast_in_dim3A_254 : i32 to vector<1024x8xi32>
      %slice3A_256 = vector.extract_strided_slice %add3A_253 {offsets = [0, 0], sizes = [1024, 8], strides = [1, 1]} : vector<2048x8xi32> to vector<1024x8xi32>
      %concatenate3A_257 = tpu.concatenate %broadcast_in_dim3A_255, %slice3A_256 in 0 : vector<1024x8xi32>, vector<1024x8xi32> -> vector<2048x8xi32>
      %add3A_258 = arith.addi %add3A_253, %concatenate3A_257 : vector<2048x8xi32>
      %slice3A_259 = vector.extract_strided_slice %add3A_203 {offsets = [2047, 0], sizes = [1, 8], strides = [1, 1]} : vector<2048x8xi32> to vector<1x8xi32>
      %slice3A_260 = vector.extract_strided_slice %add3A_258 {offsets = [2047, 0], sizes = [1, 8], strides = [1, 1]} : vector<2048x8xi32> to vector<1x8xi32>
      %add3A_261 = arith.addi %slice3A_259, %slice3A_260 : vector<1x8xi32>
      %add3A_262 = arith.constant 127 : i32
      %add3A_263 = vector.broadcast %add3A_262 : i32 to vector<1x8xi32>
      %add3A_264 = arith.addi %add3A_261, %add3A_263 : vector<1x8xi32>
      %jit3A_265 = arith.constant 128 : i32
      %div3A_266 = vector.broadcast %jit3A_265 : i32 to vector<1x8xi32>
      %div3A_267 = arith.divsi %add3A_264, %div3A_266 : vector<1x8xi32>
      %sign3A = arith.constant 0 : i32
      %sign3A_268 = vector.broadcast %sign3A : i32 to vector<1x8xi32>
      %sign3A_269 = arith.cmpi sgt, %add3A_264, %sign3A_268 : vector<1x8xi32>
      %sign3A_270 = arith.extui %sign3A_269 : vector<1x8xi1> to vector<1x8xi32>
      %sign3A_271 = arith.constant 0 : i32
      %sign3A_272 = vector.broadcast %sign3A_271 : i32 to vector<1x8xi32>
      %sign3A_273 = arith.cmpi slt, %add3A_264, %sign3A_272 : vector<1x8xi32>
      %sign3A_274 = arith.extui %sign3A_273 : vector<1x8xi1> to vector<1x8xi32>
      %sign3A_275 = arith.subi %sign3A_270, %sign3A_274 : vector<1x8xi32>
      %sign3A_276 = arith.constant 0 : i32
      %sign3A_277 = arith.cmpi sgt, %jit3A_265, %sign3A_276 : i32
      %sign3A_278 = arith.extui %sign3A_277 : i1 to i32
      %sign3A_279 = arith.constant 0 : i32
      %sign3A_280 = arith.cmpi slt, %jit3A_265, %sign3A_279 : i32
      %sign3A_281 = arith.extui %sign3A_280 : i1 to i32
      %sign3A_282 = arith.subi %sign3A_278, %sign3A_281 : i32
      %ne3A = vector.broadcast %sign3A_282 : i32 to vector<1x8xi32>
      %ne3A_283 = arith.cmpi ne, %sign3A_275, %ne3A : vector<1x8xi32>
      %rem3A = vector.broadcast %jit3A_265 : i32 to vector<1x8xi32>
      %rem3A_284 = arith.remsi %add3A_264, %rem3A : vector<1x8xi32>
      %ne3A_285 = arith.constant 0 : i32
      %ne3A_286 = vector.broadcast %ne3A_285 : i32 to vector<1x8xi32>
      %ne3A_287 = arith.cmpi ne, %rem3A_284, %ne3A_286 : vector<1x8xi32>
      %and3A = arith.andi %ne3A_283, %ne3A_287 : vector<1x8xi1>
      %sub3A_288 = arith.constant 1 : i32
      %sub3A_289 = vector.broadcast %sub3A_288 : i32 to vector<1x8xi32>
      %sub3A_290 = arith.subi %div3A_267, %sub3A_289 : vector<1x8xi32>
      %select_n3A_291 = arith.select %and3A, %sub3A_290, %div3A_267 : vector<1x8xi1>, vector<1x8xi32>
      %mul3A_292 = arith.constant 128 : i32
      %mul3A_293 = vector.broadcast %mul3A_292 : i32 to vector<1x8xi32>
      %mul3A_294 = arith.muli %select_n3A_291, %mul3A_293 : vector<1x8xi32>
      %broadcast_in_dim3A_295 = arith.constant 0 : i32
      %broadcast_in_dim3A_296 = vector.broadcast %broadcast_in_dim3A_295 : i32 to vector<1x1xi32>
      %slice3A_297 = vector.extract_strided_slice %mul3A_294 {offsets = [0, 0], sizes = [1, 7], strides = [1, 1]} : vector<1x8xi32> to vector<1x7xi32>
      %concatenate3A_298 = tpu.concatenate %broadcast_in_dim3A_296, %slice3A_297 in 1 : vector<1x1xi32>, vector<1x7xi32> -> vector<1x8xi32>
      %add3A_299 = arith.addi %mul3A_294, %concatenate3A_298 : vector<1x8xi32>
      %broadcast_in_dim3A_300 = arith.constant 0 : i32
      %broadcast_in_dim3A_301 = vector.broadcast %broadcast_in_dim3A_300 : i32 to vector<1x2xi32>
      %slice3A_302 = vector.extract_strided_slice %add3A_299 {offsets = [0, 0], sizes = [1, 6], strides = [1, 1]} : vector<1x8xi32> to vector<1x6xi32>
      %concatenate3A_303 = tpu.concatenate %broadcast_in_dim3A_301, %slice3A_302 in 1 : vector<1x2xi32>, vector<1x6xi32> -> vector<1x8xi32>
      %add3A_304 = arith.addi %add3A_299, %concatenate3A_303 : vector<1x8xi32>
      %broadcast_in_dim3A_305 = arith.constant 0 : i32
      %broadcast_in_dim3A_306 = vector.broadcast %broadcast_in_dim3A_305 : i32 to vector<1x4xi32>
      %slice3A_307 = vector.extract_strided_slice %add3A_304 {offsets = [0, 0], sizes = [1, 4], strides = [1, 1]} : vector<1x8xi32> to vector<1x4xi32>
      %concatenate3A_308 = tpu.concatenate %broadcast_in_dim3A_306, %slice3A_307 in 1 : vector<1x4xi32>, vector<1x4xi32> -> vector<1x8xi32>
      %add3A_309 = arith.addi %add3A_304, %concatenate3A_308 : vector<1x8xi32>
      %sub3A_310 = arith.subi %add3A_309, %mul3A_294 : vector<1x8xi32>
      %add3A_311 = vector.broadcast %sub3A_310 : vector<1x8xi32> to vector<2048x8xi32>
      %add3A_312 = arith.addi %add3A_311, %add3A_203 : vector<2048x8xi32>
      %sub3A_313 = arith.constant 1 : i32
      %sub3A_314 = vector.broadcast %sub3A_313 : i32 to vector<2048x8xi32>
      %sub3A_315 = arith.subi %add3A_312, %sub3A_314 : vector<2048x8xi32>
      %mul3A_316 = arith.muli %select_n3A_142, %sub3A_315 : vector<2048x8xi32>
      %reduce_sum3A_317 = arith.constant dense<0> : vector<2048xi32>
      %reduce_sum3A_318 = vector.multi_reduction <add>, %mul3A_316, %reduce_sum3A_317 [1] : vector<2048x8xi32> to vector<2048xi32>
      %broadcast_in_dim3A_319 = vector.shape_cast %reduce_sum3A_318 : vector<2048xi32> to vector<2048x1xi32>
      %add3A_320 = arith.addi %sub3A_310, %slice3A_259 : vector<1x8xi32>
      %add3A_321 = vector.broadcast %add3A_320 : vector<1x8xi32> to vector<2048x8xi32>
      %add3A_322 = arith.addi %add3A_321, %add3A_258 : vector<2048x8xi32>
      %sub3A_323 = arith.constant 1 : i32
      %sub3A_324 = vector.broadcast %sub3A_323 : i32 to vector<2048x8xi32>
      %sub3A_325 = arith.subi %add3A_322, %sub3A_324 : vector<2048x8xi32>
      %mul3A_326 = arith.muli %select_n3A_149, %sub3A_325 : vector<2048x8xi32>
      %reduce_sum3A_327 = arith.constant dense<0> : vector<2048xi32>
      %reduce_sum3A_328 = vector.multi_reduction <add>, %mul3A_326, %reduce_sum3A_327 [1] : vector<2048x8xi32> to vector<2048xi32>
      %broadcast_in_dim3A_329 = vector.shape_cast %reduce_sum3A_328 : vector<2048xi32> to vector<2048x1xi32>
      %eq3A_330 = arith.constant 0 : i32
      %eq3A_331 = vector.broadcast %eq3A_330 : i32 to vector<2048x8xi32>
      %eq3A_332 = arith.cmpi eq, %iota3A_134, %eq3A_331 : vector<2048x8xi32>
      %jit3A_333 = arith.constant 0 : i32
      %broadcast_in_dim3A_334 = vector.shape_cast %broadcast_in_dim3A_319 : vector<2048x1xi32> to vector<2048x1xi32>
      %broadcast_in_dim3A_335 = vector.broadcast %broadcast_in_dim3A_334 : vector<2048x1xi32> to vector<2048x8xi32>
      %broadcast_in_dim3A_336 = vector.broadcast %jit3A_333 : i32 to vector<2048x8xi32>
      %select_n3A_337 = arith.select %eq3A_332, %broadcast_in_dim3A_335, %broadcast_in_dim3A_336 : vector<2048x8xi1>, vector<2048x8xi32>
      %eq3A_338 = arith.constant 1 : i32
      %eq3A_339 = vector.broadcast %eq3A_338 : i32 to vector<2048x8xi32>
      %eq3A_340 = arith.cmpi eq, %iota3A_134, %eq3A_339 : vector<2048x8xi32>
      %jit3A_341 = arith.constant 0 : i32
      %broadcast_in_dim3A_342 = vector.shape_cast %broadcast_in_dim3A_329 : vector<2048x1xi32> to vector<2048x1xi32>
      %broadcast_in_dim3A_343 = vector.broadcast %broadcast_in_dim3A_342 : vector<2048x1xi32> to vector<2048x8xi32>
      %broadcast_in_dim3A_344 = vector.broadcast %jit3A_341 : i32 to vector<2048x8xi32>
      %select_n3A_345 = arith.select %eq3A_340, %broadcast_in_dim3A_343, %broadcast_in_dim3A_344 : vector<2048x8xi1>, vector<2048x8xi32>
      %add3A_346 = arith.addi %select_n3A_337, %select_n3A_345 : vector<2048x8xi32>
      %swap3A_347 = arith.constant 0 : index
      %swap3A_348 = arith.constant 0 : index
      %swap3A_349 = vector.load %arg9[%swap3A_347, %swap3A_348] : memref<2048x8xi32, #tpu.memory_space<vmem>>, vector<2048x8xi32>
      tpu.vector_store %arg9[%swap3A_347, %swap3A_348], %add3A_346 {strides = array<i32>} : memref<2048x8xi32, #tpu.memory_space<vmem>>, vector<2048x8xi32>,
      %iota3A_350 = tpu.iota {dimensions = array<i32: 1>} : vector<64x8xi32>
      %iota3A_351 = tpu.iota {dimensions = array<i32: 0>} : vector<64x8xi32>
      %mul3A_352 = arith.constant 128 : i32
      %mul3A_353 = vector.broadcast %mul3A_352 : i32 to vector<64x8xi32>
      %mul3A_354 = arith.muli %iota3A_351, %mul3A_353 : vector<64x8xi32>
      %ge3A = vector.broadcast %sub3A_310 : vector<1x8xi32> to vector<64x8xi32>
      %ge3A_355 = arith.cmpi sge, %mul3A_354, %ge3A : vector<64x8xi32>
      %jit3A_356 = arith.constant 1 : i32
      %jit3A_357 = arith.constant 0 : i32
      %broadcast_in_dim3A_358 = vector.broadcast %jit3A_356 : i32 to vector<64x8xi32>
      %broadcast_in_dim3A_359 = vector.broadcast %jit3A_357 : i32 to vector<64x8xi32>
      %select_n3A_360 = arith.select %ge3A_355, %broadcast_in_dim3A_358, %broadcast_in_dim3A_359 : vector<64x8xi1>, vector<64x8xi32>
      %reduce_sum3A_361 = arith.constant dense<0> : vector<64xi32>
      %reduce_sum3A_362 = vector.multi_reduction <add>, %select_n3A_360, %reduce_sum3A_361 [1] : vector<64x8xi32> to vector<64xi32>
      %broadcast_in_dim3A_363 = vector.shape_cast %reduce_sum3A_362 : vector<64xi32> to vector<64x1xi32>
      %sub3A_364 = arith.constant 1 : i32
      %sub3A_365 = vector.broadcast %sub3A_364 : i32 to vector<64x1xi32>
      %sub3A_366 = arith.subi %broadcast_in_dim3A_363, %sub3A_365 : vector<64x1xi32>
      %eq3A_367 = arith.constant 0 : i32
      %eq3A_368 = vector.broadcast %eq3A_367 : i32 to vector<64x8xi32>
      %eq3A_369 = arith.cmpi eq, %iota3A_350, %eq3A_368 : vector<64x8xi32>
      %jit3A_370 = arith.constant 0 : i32
      %broadcast_in_dim3A_371 = vector.shape_cast %sub3A_366 : vector<64x1xi32> to vector<64x1xi32>
      %broadcast_in_dim3A_372 = vector.broadcast %broadcast_in_dim3A_371 : vector<64x1xi32> to vector<64x8xi32>
      %broadcast_in_dim3A_373 = vector.broadcast %jit3A_370 : i32 to vector<64x8xi32>
      %select_n3A_374 = arith.select %eq3A_369, %broadcast_in_dim3A_372, %broadcast_in_dim3A_373 : vector<64x8xi1>, vector<64x8xi32>
      %swap3A_375 = arith.constant 0 : index
      %swap3A_376 = arith.constant 0 : index
      %swap3A_377 = vector.load %arg10[%swap3A_375, %swap3A_376] : memref<64x8xi32, #tpu.memory_space<vmem>>, vector<64x8xi32>
      tpu.vector_store %arg10[%swap3A_375, %swap3A_376], %select_n3A_374 {strides = array<i32>} : memref<64x8xi32, #tpu.memory_space<vmem>>, vector<64x8xi32>,
    } else {
    }
    return
  }
  func.func @transform_0(%arg0: i32) -> (i32, i32) {
    %c0_i32 = arith.constant 0 : i32
    %c0_i32_0 = arith.constant 0 : i32
    return %arg0, %c0_i32 : i32, i32
  }
  func.func @transform_1(%arg0: i32) -> (i32, i32) {
    %c0_i32 = arith.constant 0 : i32
    %c0_i32_0 = arith.constant 0 : i32
    return %arg0, %c0_i32 : i32, i32
  }
  func.func @transform_2(%arg0: i32) -> (i32, i32) {
    %c0_i32 = arith.constant 0 : i32
    %c0_i32_0 = arith.constant 0 : i32
    %c0_i32_1 = arith.constant 0 : i32
    return %c0_i32, %c0_i32_0 : i32, i32
  }
  func.func @transform_3(%arg0: i32) -> (i32, i32) {
    %c0_i32 = arith.constant 0 : i32
    %c0_i32_0 = arith.constant 0 : i32
    %c0_i32_1 = arith.constant 0 : i32
    return %c0_i32, %c0_i32_0 : i32, i32
  }
  func.func @transform_4(%arg0: i32) -> (i32, i32) {
    %c0_i32 = arith.constant 0 : i32
    %c0_i32_0 = arith.constant 0 : i32
    %c0_i32_1 = arith.constant 0 : i32
    return %c0_i32, %c0_i32_0 : i32, i32
  }
  func.func @transform_5(%arg0: i32) -> (i32, i32) {
    %c0_i32 = arith.constant 0 : i32
    %c0_i32_0 = arith.constant 0 : i32
    return %arg0, %c0_i32 : i32, i32
  }
  func.func @transform_6(%arg0: i32) -> (i32, i32) {
    %c0_i32 = arith.constant 0 : i32
    %c0_i32_0 = arith.constant 0 : i32
    return %arg0, %c0_i32 : i32, i32
  }
  func.func @transform_7(%arg0: i32) -> (i32, i32) {
    %c0_i32 = arith.constant 0 : i32
    %c0_i32_0 = arith.constant 0 : i32
    return %arg0, %c0_i32 : i32, i32
  }
  func.func @transform_8(%arg0: i32) -> (i32, i32) {
    %c0_i32 = arith.constant 0 : i32
    %c0_i32_0 = arith.constant 0 : i32
    %c0_i32_1 = arith.constant 0 : i32
    return %c0_i32, %c0_i32_0 : i32, i32
  }
  func.func @transform_9(%arg0: i32) -> (i32, i32) {
    %c0_i32 = arith.constant 0 : i32
    %c0_i32_0 = arith.constant 0 : i32
    %c0_i32_1 = arith.constant 0 : i32
    return %c0_i32, %c0_i32_0 : i32, i32
  }
  func.func @transform_10(%arg0: i32) -> (i32, i32) {
    %c0_i32 = arith.constant 0 : i32
    %c0_i32_0 = arith.constant 0 : i32
    %c0_i32_1 = arith.constant 0 : i32
    return %c0_i32, %c0_i32_0 : i32, i32
  }
}

module attributes {stable_mosaic.version = 14 : i64} {
  func.func @_moe_kernel(%arg0: i32, %arg1: memref<40xi32, #tpu.memory_space<smem>>, %arg2: memref<128x768xf32, #tpu.memory_space<vmem>>, %arg3: memref<1x2048x768xf32, #tpu.memory_space<vmem>>, %arg4: memref<1x768x2048xf32, #tpu.memory_space<vmem>>, %arg5: memref<128x768xf32, #tpu.memory_space<vmem>>, %arg6: memref<2048x768xbf16, #tpu.memory_space<vmem>>, %arg7: memref<768x2048xbf16, #tpu.memory_space<vmem>>) attributes {dimension_semantics = [#tpu.dimension_semantics<arbitrary>], iteration_bounds = array<i64: 40>, scalar_prefetch = 1 : i64, scratch_operands = 2 : i64, tpu.core_type = #tpu.core_type<tc>, window_params = [{transform_indices = @transform_0, window_bounds = array<i64: 128, 768>}, {transform_indices = @transform_1, window_bounds = array<i64: 1, 2048, 768>}, {transform_indices = @transform_2, window_bounds = array<i64: 1, 768, 2048>}, {transform_indices = @transform_3, window_bounds = array<i64: 128, 768>}]} {
    %eq3A = arith.constant 0 : i32
    %eq3A_0 = arith.cmpi eq, %arg0, %eq3A : i32
    %get3A = arith.index_cast %arg0 : i32 to index
    %get3A_1 = memref.load %arg1[%get3A] : memref<40xi32, #tpu.memory_space<smem>>
    %sub3A = arith.constant 1 : i32
    %sub3A_2 = arith.subi %arg0, %sub3A : i32
    %max3A = arith.constant 0 : i32
    %max3A_3 = arith.maxsi %sub3A_2, %max3A : i32
    %get3A_4 = arith.index_cast %max3A_3 : i32 to index
    %get3A_5 = memref.load %arg1[%get3A_4] : memref<40xi32, #tpu.memory_space<smem>>
    %ne3A = arith.cmpi ne, %get3A_1, %get3A_5 : i32
    %or3A = arith.ori %eq3A_0, %ne3A : i1
    %convert_element_type3A = arith.extui %or3A : i1 to i32
    %cond3A = arith.constant 0 : i32
    %cond3A_6 = arith.cmpi ne, %convert_element_type3A, %cond3A : i32
    scf.if %cond3A_6 {
      %get3A_31 = arith.constant 0 : index
      %get3A_32 = arith.constant 0 : index
      %get3A_33 = arith.constant 0 : index
      %get3A_34 = vector.load %arg3[%get3A_31, %get3A_32, %get3A_33] : memref<1x2048x768xf32, #tpu.memory_space<vmem>>, vector<1x2048x768xf32>
      %get3A_35 = vector.shape_cast %get3A_34 : vector<1x2048x768xf32> to vector<2048x768xf32>
      %convert_element_type3A_36 = arith.truncf %get3A_35 : vector<2048x768xf32> to vector<2048x768xbf16>
      %swap3A_37 = arith.constant 0 : index
      %swap3A_38 = arith.constant 0 : index
      %swap3A_39 = vector.load %arg6[%swap3A_37, %swap3A_38] : memref<2048x768xbf16, #tpu.memory_space<vmem>>, vector<2048x768xbf16>
      tpu.vector_store %arg6[%swap3A_37, %swap3A_38], %convert_element_type3A_36 {strides = array<i32>} : memref<2048x768xbf16, #tpu.memory_space<vmem>>, vector<2048x768xbf16>,
      %get3A_40 = arith.constant 0 : index
      %get3A_41 = arith.constant 0 : index
      %get3A_42 = arith.constant 0 : index
      %get3A_43 = vector.load %arg4[%get3A_40, %get3A_41, %get3A_42] : memref<1x768x2048xf32, #tpu.memory_space<vmem>>, vector<1x768x2048xf32>
      %get3A_44 = vector.shape_cast %get3A_43 : vector<1x768x2048xf32> to vector<768x2048xf32>
      %convert_element_type3A_45 = arith.truncf %get3A_44 : vector<768x2048xf32> to vector<768x2048xbf16>
      %swap3A_46 = arith.constant 0 : index
      %swap3A_47 = arith.constant 0 : index
      %swap3A_48 = vector.load %arg7[%swap3A_46, %swap3A_47] : memref<768x2048xbf16, #tpu.memory_space<vmem>>, vector<768x2048xbf16>
      tpu.vector_store %arg7[%swap3A_46, %swap3A_47], %convert_element_type3A_45 {strides = array<i32>} : memref<768x2048xbf16, #tpu.memory_space<vmem>>, vector<768x2048xbf16>,
    } else {
    }
    %get3A_7 = arith.constant 0 : index
    %get3A_8 = arith.constant 0 : index
    %get3A_9 = vector.load %arg2[%get3A_7, %get3A_8] : memref<128x768xf32, #tpu.memory_space<vmem>>, vector<128x768xf32>
    %convert_element_type3A_10 = arith.truncf %get3A_9 : vector<128x768xf32> to vector<128x768xbf16>
    %get3A_11 = arith.constant 0 : index
    %get3A_12 = arith.constant 0 : index
    %get3A_13 = vector.load %arg6[%get3A_11, %get3A_12] : memref<2048x768xbf16, #tpu.memory_space<vmem>>, vector<2048x768xbf16>
    %dot_general3A = arith.constant dense<0.000000e+00> : vector<128x2048xf32>
    %dot_general3A_14 = tpu.matmul %convert_element_type3A_10, %get3A_13, %dot_general3A {dimension_numbers = #tpu.dot_dimension_numbers<[1], [1], [0], [0], [0, 0, 1, 0], [], []>, transpose_lhs_hint = false} : vector<128x768xbf16>, vector<2048x768xbf16>, vector<128x2048xf32> -> vector<128x2048xf32>
    %mul3A = arith.constant 5.000000e-01 : f32
    %mul3A_15 = vector.broadcast %mul3A : f32 to vector<128x2048xf32>
    %mul3A_16 = arith.mulf %mul3A_15, %dot_general3A_14 : vector<128x2048xf32>
    %mul3A_17 = arith.constant 0.707106769 : f32
    %mul3A_18 = vector.broadcast %mul3A_17 : f32 to vector<128x2048xf32>
    %mul3A_19 = arith.mulf %dot_general3A_14, %mul3A_18 : vector<128x2048xf32>
    %erf3A = math.erf %mul3A_19 : vector<128x2048xf32>
    %add3A = arith.constant 1.000000e+00 : f32
    %add3A_20 = vector.broadcast %add3A : f32 to vector<128x2048xf32>
    %add3A_21 = arith.addf %add3A_20, %erf3A : vector<128x2048xf32>
    %mul3A_22 = arith.mulf %mul3A_16, %add3A_21 : vector<128x2048xf32>
    %convert_element_type3A_23 = arith.truncf %mul3A_22 : vector<128x2048xf32> to vector<128x2048xbf16>
    %get3A_24 = arith.constant 0 : index
    %get3A_25 = arith.constant 0 : index
    %get3A_26 = vector.load %arg7[%get3A_24, %get3A_25] : memref<768x2048xbf16, #tpu.memory_space<vmem>>, vector<768x2048xbf16>
    %dot_general3A_27 = arith.constant dense<0.000000e+00> : vector<128x768xf32>
    %dot_general3A_28 = tpu.matmul %convert_element_type3A_23, %get3A_26, %dot_general3A_27 {dimension_numbers = #tpu.dot_dimension_numbers<[1], [1], [0], [0], [0, 0, 1, 0], [], []>, transpose_lhs_hint = false} : vector<128x2048xbf16>, vector<768x2048xbf16>, vector<128x768xf32> -> vector<128x768xf32>
    %swap3A = arith.constant 0 : index
    %swap3A_29 = arith.constant 0 : index
    %swap3A_30 = vector.load %arg5[%swap3A, %swap3A_29] : memref<128x768xf32, #tpu.memory_space<vmem>>, vector<128x768xf32>
    tpu.vector_store %arg5[%swap3A, %swap3A_29], %dot_general3A_28 {strides = array<i32>} : memref<128x768xf32, #tpu.memory_space<vmem>>, vector<128x768xf32>,
    return
  }
  func.func @transform_0(%arg0: i32, %arg1: memref<40xi32, #tpu.memory_space<smem>>) -> (i32, i32) {
    %c0_i32 = arith.constant 0 : i32
    %c0_i32_0 = arith.constant 0 : i32
    return %arg0, %c0_i32 : i32, i32
  }
  func.func @transform_1(%arg0: i32, %arg1: memref<40xi32, #tpu.memory_space<smem>>) -> (i32, i32, i32) {
    %get3A = arith.index_cast %arg0 : i32 to index
    %get3A_0 = memref.load %arg1[%get3A] : memref<40xi32, #tpu.memory_space<smem>>
    %c0_i32 = arith.constant 0 : i32
    %c0_i32_1 = arith.constant 0 : i32
    %c0_i32_2 = arith.constant 0 : i32
    return %get3A_0, %c0_i32, %c0_i32_1 : i32, i32, i32
  }
  func.func @transform_2(%arg0: i32, %arg1: memref<40xi32, #tpu.memory_space<smem>>) -> (i32, i32, i32) {
    %get3A = arith.index_cast %arg0 : i32 to index
    %get3A_0 = memref.load %arg1[%get3A] : memref<40xi32, #tpu.memory_space<smem>>
    %c0_i32 = arith.constant 0 : i32
    %c0_i32_1 = arith.constant 0 : i32
    %c0_i32_2 = arith.constant 0 : i32
    return %get3A_0, %c0_i32, %c0_i32_1 : i32, i32, i32
  }
  func.func @transform_3(%arg0: i32, %arg1: memref<40xi32, #tpu.memory_space<smem>>) -> (i32, i32) {
    %c0_i32 = arith.constant 0 : i32
    %c0_i32_0 = arith.constant 0 : i32
    return %arg0, %c0_i32 : i32, i32
  }
}

module attributes {stable_mosaic.version = 14 : i64} {
  func.func @_combine_kernel(%arg0: i32, %arg1: memref<256x768xf32, #tpu.memory_space<vmem>>, %arg2: memref<256x8xf32, #tpu.memory_space<vmem>>, %arg3: memref<256x768xf32, #tpu.memory_space<vmem>>, %arg4: memref<256x768xf32, #tpu.memory_space<vmem>>, %arg5: memref<256x768xf32, #tpu.memory_space<vmem>>) attributes {dimension_semantics = [#tpu.dimension_semantics<arbitrary>], iteration_bounds = array<i64: 8>, scalar_prefetch = 0 : i64, scratch_operands = 0 : i64, tpu.core_type = #tpu.core_type<tc>, window_params = [{transform_indices = @transform_0, window_bounds = array<i64: 256, 768>}, {transform_indices = @transform_1, window_bounds = array<i64: 256, 8>}, {transform_indices = @transform_2, window_bounds = array<i64: 256, 768>}, {transform_indices = @transform_3, window_bounds = array<i64: 256, 768>}, {transform_indices = @transform_4, window_bounds = array<i64: 256, 768>}]} {
    %get3A = arith.constant 0 : index
    %get3A_0 = arith.constant 0 : index
    %get3A_1 = vector.load %arg2[%get3A, %get3A_0] : memref<256x8xf32, #tpu.memory_space<vmem>>, vector<256x8xf32>
    %get3A_2 = arith.constant 0 : index
    %get3A_3 = arith.constant 0 : index
    %get3A_4 = vector.load %arg1[%get3A_2, %get3A_3] : memref<256x768xf32, #tpu.memory_space<vmem>>, vector<256x768xf32>
    %slice3A = vector.extract_strided_slice %get3A_1 {offsets = [0, 0], sizes = [256, 1], strides = [1, 1]} : vector<256x8xf32> to vector<256x1xf32>
    %get3A_5 = arith.constant 0 : index
    %get3A_6 = arith.constant 0 : index
    %get3A_7 = vector.load %arg3[%get3A_5, %get3A_6] : memref<256x768xf32, #tpu.memory_space<vmem>>, vector<256x768xf32>
    %mul3A = vector.broadcast %slice3A : vector<256x1xf32> to vector<256x768xf32>
    %mul3A_8 = arith.mulf %mul3A, %get3A_7 : vector<256x768xf32>
    %add3A = arith.addf %get3A_4, %mul3A_8 : vector<256x768xf32>
    %slice3A_9 = vector.extract_strided_slice %get3A_1 {offsets = [0, 1], sizes = [256, 1], strides = [1, 1]} : vector<256x8xf32> to vector<256x1xf32>
    %get3A_10 = arith.constant 0 : index
    %get3A_11 = arith.constant 0 : index
    %get3A_12 = vector.load %arg4[%get3A_10, %get3A_11] : memref<256x768xf32, #tpu.memory_space<vmem>>, vector<256x768xf32>
    %mul3A_13 = vector.broadcast %slice3A_9 : vector<256x1xf32> to vector<256x768xf32>
    %mul3A_14 = arith.mulf %mul3A_13, %get3A_12 : vector<256x768xf32>
    %add3A_15 = arith.addf %add3A, %mul3A_14 : vector<256x768xf32>
    %swap3A = arith.constant 0 : index
    %swap3A_16 = arith.constant 0 : index
    %swap3A_17 = vector.load %arg5[%swap3A, %swap3A_16] : memref<256x768xf32, #tpu.memory_space<vmem>>, vector<256x768xf32>
    tpu.vector_store %arg5[%swap3A, %swap3A_16], %add3A_15 {strides = array<i32>} : memref<256x768xf32, #tpu.memory_space<vmem>>, vector<256x768xf32>,
    return
  }
  func.func @transform_0(%arg0: i32) -> (i32, i32) {
    %c0_i32 = arith.constant 0 : i32
    %c0_i32_0 = arith.constant 0 : i32
    return %arg0, %c0_i32 : i32, i32
  }
  func.func @transform_1(%arg0: i32) -> (i32, i32) {
    %c0_i32 = arith.constant 0 : i32
    %c0_i32_0 = arith.constant 0 : i32
    return %arg0, %c0_i32 : i32, i32
  }
  func.func @transform_2(%arg0: i32) -> (i32, i32) {
    %c0_i32 = arith.constant 0 : i32
    %c0_i32_0 = arith.constant 0 : i32
    return %arg0, %c0_i32 : i32, i32
  }
  func.func @transform_3(%arg0: i32) -> (i32, i32) {
    %add3A = arith.constant 8 : i32
    %add3A_0 = arith.addi %add3A, %arg0 : i32
    %c0_i32 = arith.constant 0 : i32
    %c0_i32_1 = arith.constant 0 : i32
    return %add3A_0, %c0_i32 : i32, i32
  }
  func.func @transform_4(%arg0: i32) -> (i32, i32) {
    %c0_i32 = arith.constant 0 : i32
    %c0_i32_0 = arith.constant 0 : i32
    return %arg0, %c0_i32 : i32, i32
  }
}

</mosaic_0001>

<sc_bundles>
// kernel: kernel.12.cloned.1.call-start
scs
__scs_entry_jumppad:
0x0: {  	(pc) =	sbr.rel $0x88, $3  }
0x1: {  	(tag) =	ssettag $0x0;
	lr =	simm.s32 $0x1  }
0x2: {  	[smem:$0x3F99] =	sst lr;
	_ =	strace $0xD0000000  }
0x3: {  	_ = 	snop  }
0x4: {  	_ = 	snop  }
0x5: {  	_ = 	snop  }
0x6: {  	_ = 	snop  }
0x7: {  	_ = 	snop  }
__scs_overlays_trampoline_lowered:
0x8: {  	[smem:$0x3FA8] =	sst s0  }
0x9: {  	[smem:$0x3FA9] =	sst s1  }
0xa: {  	[smem:$0x3FAA] =	sst s2  }
0xb: {  	[smem:$0x3FAB] =	sst s3  }
0xc: {  	[smem:$0x3FAC] =	sst s4  }
0xd: {  	[smem:$0x3FAD] =	sst s5  }
0xe: {  	[smem:$0x3FAE] =	sst s6  }
0xf: {  	[smem:$0x3FAF] =	sst s7  }
0x10: {  	[smem:$0x3FB0] =	sst s8  }
0x11: {  	[smem:$0x3FB1] =	sst s9;
	s0 =	simm.s32 @!p0 $0x0  }
0x12: {  	s1 =	sld [smem:$0x3F97];
	s0 =	simm.s32 @p0 $0x1  }
0x13: {  	[smem:$0x3FB2] =	sst s0;
	s0 =	simm.s32 @!p1 $0x0  }
0x14: {  	s2 =	sld [smem:$0x3F96];
	s0 =	simm.s32 @p1 $0x1  }
0x15: {  	[smem:$0x3FB3] =	sst s0;
	s0 =	simm.s32 @!p2 $0x0  }
0x16: {  	s3 =	sld [smem:$0x3FDB];
	s0 =	simm.s32 @p2 $0x1  }
0x17: {  	s4 =	simm.s32 $0x1BF5;
	[smem:$0x3FB5] =	sst s0  }
0x18: {  	s0 =	sld [smem:$0x3F98];
	_ =	swait.ge [sflag:s4], $0x0  }
0x19: {  	s7 =	sld [smem:$0x3F99]  }
0x1a: {  	s8 =	sadd.s32 $0xFFFFE003, lr  }
0x1b: {  	s9 =	sadd.s32 $0xFFFFFEF7, lr;
	s5 =	simm.s32 $0xFFFFFFFF;
	p2 =	slt.u32 s8, $0xFFFFF086  }
0x1c: {  	p1 =	slt.u32 s9, $0xF7A;
	s5 =	simm.s32 @!p2 $0x0  }
0x1d: {  	s5 =	simm.s32 @p1 $0x1;
	p0 =	seq.s32 s7, s2  }
0x1e: {  	s7 =	smul.u32 @!p0 $0xF7A, s2;
	p2 =	seq.s32 @!p0 s5, $0x0  }
0x1f: {  	s9 =	smul.u32 $0xF7A, s1;
	s8 =	simm.s32 @!p0 $0x1BF5;
	p2 =	por !p2, p0  }
0x20: {  	[sflag:s8] =	ssyncset.s32 @!p0 $0xFFFFF086;
	s6 =	sadd.s32 @!p0 s3, s7;
	s7 =	simm.s32 @!p0 $0x108  }
0x21: {  	s3 =	sadd.s32 s3, s9;
	s6 =	sadd.s32 @!p0 $0x88, s6;
	s7 =	simm.s32 @p2 $0x1082  }
0x22: {  	[simem:s7], [sflag:s8] =	dma.local @!p0 [hbm:s6], $0xF7A  }
0x23: {  	s9 =	sor.u32 $0xD0000000, s2;
	s6 =	simm.s32 $0x108;
	_ =	swait.ge @!p0 [sflag:s8], $0x0  }
0x24: {  	s3 =	sadd.s32 $0x88, s3;
	s6 =	simm.s32 @!p1 $0x1082;
	[sflag:s4] =	ssyncset.s32 $0xFFFFF086  }
0x25: {  	[simem:s6], [sflag:s4] =	dma.local [hbm:s3], $0xF7A  }
0x26: {  	[smem:$0x3F99] =	sst s1;
	(tag) =	ssettag s2;
	_ =	strace s9  }
0x27: {  	s1 =	sld [smem:$0x3FA9]  }
0x28: {  	s2 =	sld [smem:$0x3FAA]  }
0x29: {  	s4 =	sld [smem:$0x3FAC]  }
0x2a: {  	p0 =	seq.s32 s5, $0x0;
	s5 =	sld [smem:$0x3FAD]  }
0x2b: {  	s6 =	sld [smem:$0x3FAE]  }
0x2c: {  	s7 =	sld [smem:$0x3FAF]  }
0x2d: {  	s3 =	simm.s32 $0x108;
	s8 =	sld [smem:$0x3FB0]  }
0x2e: {  	s3 =	simm.s32 @!p0 $0x1082;
	s9 =	sld [smem:$0x3FB1]  }
0x2f: {  	lr =	sadd.s32 s0, s3;
	s0 =	sld [smem:$0x3FA8]  }
0x30: {  	s3 =	sld [smem:$0x3FAB]  }
0x31: {  	[smem:$0x3FB4] =	sst s10  }
0x32: {  	s10 =	sld [smem:$0x3FB2];
	_ =	sdelay $0x3  }
0x33: {  	p0 =	seq.s32 s10, $0x1;
	s10 =	sld [smem:$0x3FB4];
	_ =	sdelay $0x3  }
0x34: {  	[smem:$0x3FB4] =	sst s10  }
0x35: {  	s10 =	sld [smem:$0x3FB3];
	_ =	sdelay $0x3  }
0x36: {  	p1 =	seq.s32 s10, $0x1;
	s10 =	sld [smem:$0x3FB4];
	_ =	sdelay $0x3  }
0x37: {  	[smem:$0x3FB4] =	sst s10  }
0x38: {  	s10 =	sld [smem:$0x3FB5]  }
0x39: {  	_ = 	snop;
	(pc) =	sbr.ind lr, $3  }
0x3a: {  	_ = 	snop  }
0x3b: {  	_ = 	snop  }
0x3c: {  	p2 =	seq.s32 s10, $0x1;
	s10 =	sld [smem:$0x3FB4]  }
0x3d: {  	_ =	shalt  }
0x3e: {  	_ =	shalt  }
0x3f: {  	_ =	shalt  }
0x40: {  	_ =	shalt  }
0x41: {  	_ =	shalt  }
0x42: {  	_ =	shalt  }
0x43: {  	_ =	shalt  }
0x44: {  	_ =	shalt  }
0x45: {  	_ =	shalt  }
0x46: {  	_ =	shalt  }
0x47: {  	_ =	shalt  }
0x48: {  	_ =	shalt  }
0x49: {  	_ =	shalt  }
0x4a: {  	_ =	shalt  }
0x4b: {  	_ =	shalt  }
0x4c: {  	_ =	shalt  }
0x4d: {  	_ =	shalt  }
0x4e: {  	_ =	shalt  }
0x4f: {  	_ =	shalt  }
0x50: {  	_ =	shalt  }
0x51: {  	_ =	shalt  }
0x52: {  	_ =	shalt  }
0x53: {  	_ =	shalt  }
0x54: {  	_ =	shalt  }
0x55: {  	_ =	shalt  }
0x56: {  	_ =	shalt  }
0x57: {  	_ =	shalt  }
0x58: {  	_ =	shalt  }
0x59: {  	_ =	shalt  }
0x5a: {  	_ =	shalt  }
0x5b: {  	_ =	shalt  }
0x5c: {  	_ =	shalt  }
0x5d: {  	_ =	shalt  }
0x5e: {  	_ =	shalt  }
0x5f: {  	_ =	shalt  }
0x60: {  	_ =	shalt  }
0x61: {  	_ =	shalt  }
0x62: {  	_ =	shalt  }
0x63: {  	_ =	shalt  }
0x64: {  	_ =	shalt  }
0x65: {  	_ =	shalt  }
0x66: {  	_ =	shalt  }
0x67: {  	_ =	shalt  }
0x68: {  	_ =	shalt  }
0x69: {  	_ =	shalt  }
0x6a: {  	_ =	shalt  }
0x6b: {  	_ =	shalt  }
0x6c: {  	_ =	shalt  }
0x6d: {  	_ =	shalt  }
0x6e: {  	_ =	shalt  }
0x6f: {  	_ =	shalt  }
0x70: {  	_ =	shalt  }
0x71: {  	_ =	shalt  }
0x72: {  	_ =	shalt  }
0x73: {  	_ =	shalt  }
0x74: {  	_ =	shalt  }
0x75: {  	_ =	shalt  }
0x76: {  	_ =	shalt  }
0x77: {  	_ =	shalt  }
0x78: {  	_ =	shalt  }
0x79: {  	_ =	shalt  }
0x7a: {  	_ =	shalt  }
0x7b: {  	_ =	shalt  }
0x7c: {  	_ =	shalt  }
0x7d: {  	_ =	shalt  }
0x7e: {  	_ =	shalt  }
0x7f: {  	_ =	shalt  }
0x80: {  	_ =	shalt  }
0x81: {  	_ =	shalt  }
0x82: {  	_ =	shalt  }
0x83: {  	_ =	shalt  }
0x84: {  	_ =	shalt  }
0x85: {  	_ =	shalt  }
0x86: {  	_ =	shalt  }
0x87: {  	_ =	shalt  }
.Lfunc_end0:
.L_simem_size_0:
called_computation.1_lowered:
.L_overlay_start_0:
0x88: {  	s2 =	sld [smem:$0x3FD9]  }
0x89: {  	s3 =	sld [smem:$0x3FFE];
	_ =	sdelay $0x1  }
0x8a: {  	s1 =	srdreg.scid  }
0x8b: {  	s0 =	sand.u32 $0x1, s1  }
0x8c: {  	s16 =	sshll.u32 s0, $0xA;
	s2 =	sadd.s32 s3, s2  }
0x8d: {  	s2 =	sadd.s32 s2, s16  }
0x8e: {  	[smem:$0x3FC0] =	sst s2  }
0x8f: {  	_ = 	snop  }
0x90: {  	(tm) =	ssettm $0x1  }
0x91: {  	s17 =	sld [smem:$0x3FFB];
	_ =	sdelay $0x3  }
0x92: {  	_ =	strace s17  }
0x93: {  	s2 =	sld [smem:$0x3FFC];
	_ =	sdelay $0x3  }
0x94: {  	_ =	strace s2  }
0x95: {  	s2 =	sld [smem:$0x3FFD];
	_ =	sdelay $0x3  }
0x96: {  	_ =	strace s2  }
0x97: {  	_ =	strace $0x8FFFFFFF  }
0x98: {  	s18 =	sld [smem:$0x3FDB];
	_ =	sdelay $0x1  }
0x99: {  	s19 =	simm.s32 $_scs_section_size  }
0x9a: {  	s4 =	simm.s32 $_size__tile_overlayer_lowered;
	s5 =	simm.s32 $_tile_overlayer_lowered  }
0x9b: {  	s22 =	simm.s32 $0x1BFF;
	s21 =	sshll.u32 s5, $0x1;
	s2 =	sadd.s32 s19, s18  }
0x9c: {  	s6 =	simm.s32 $0x0;
	s20 =	sshll.u32 s4, $0x1;
	s4 =	sadd.s32 s21, s2  }
0x9d: {  	[timem:s6], [sflag:s22] =	dma.local [hbm:s4], s20  }
0x9e: {  	_ =	swait.ge [sflag:s22], s20  }
0x9f: {  	s3 =	ssub.s32 $0x0, s20;
	[sflag:s22] =	ssyncset.done $0x0  }
0xa0: {  	[sflag:s22] =	ssyncadd.s32 s3;
	_ =	sdelay $0x1  }
0xa1: {  	s23 =	simm.s32 $0x1B8B  }
0xa2: {  	_ =	swait.ge [sflag:s23], $0x1  }
0xa3: {  	[sflag:s23] =	ssyncset.done $0x0  }
0xa4: {  	s25 =	simm.s32 $0x1B8E;
	s24 =	sld [smem:$0x3FFE];
	[sflag:s23] =	ssyncadd.s32 $0xFFFFFFFF  }
0xa5: {  	s26 =	simm.s32 $execute0_lowered;
	[smem:$0x3FD2] =	sst s25  }
0xa6: {  	s4 =	sshll.u32 s26, $0x1;
	_ =	strace $0x80000049;
	[dreg:$0x1] =	wrdreg $0xFFFFFFFF  }
0xa7: {  	s28 =	simm.s32 $_size_execute0_lowered;
	s2 =	sadd.s32 s2, s4;
	[dreg:$0x0] =	wrdreg $0x0  }
0xa8: {  	s4 =	sshll.u32 s28, $0x1;
	[dreg:$0x2] =	wrdreg s2  }
0xa9: {  	[dreg:$0x3] =	wrdreg s4  }
0xaa: {  	[dreg:$0x4] =	wrdreg $0xC0  }
0xab: {  	_ =	task [dreg:s6], $0x5FFFF  }
0xac: {  	[dreg:$0x1] =	wrdreg $0xFFFFFFFF  }
0xad: {  	[dreg:$0x0] =	wrdreg $0x60  }
0xae: {  	[dreg:$0x2] =	wrdreg s24  }
0xaf: {  	[dreg:$0x3] =	wrdreg $0x9  }
0xb0: {  	_ =	task.clear_ibuf [dreg:s6], $0x4FFFF;
	_ =	strace $0x90000049  }
0xb1: {  	s29 =	simm.s32 $0x9;
	_ =	strace $0x8000004B  }
0xb2: {  	_ =	swait.ge [sflag:s29], $0x1  }
0xb3: {  	[sflag:s29] =	ssyncadd.s32 $0xFFFFFFFF  }
0xb4: {  	_ =	strace $0x9000004B  }
0xb5: {  	_ =	sfence  }
0xb6: {  	s30 =	sld [smem:$0x0];
	_ =	sdelay $0x2  }
0xb7: {  	s31 =	sshll.u32 s1, $0xD;
	s1 =	sshrl.u32 s1, $0x2  }
0xb8: {  	s3 =	sand.u32 $0x4000, s31;
	s1 =	sadd.s32 s1, s30  }
0xb9: {  	s0 =	sor.u32 s3, s0;
	s1 =	sshll.u32 s1, $0x11  }
0xba: {  	s0 =	sor.u32 s1, s0  }
0xbb: {  	s0 =	sadd.s32 $0x8F2B, s0  }
0xbc: {  	[sflag:s0] =	ssyncadd.remote.s32 $0x1  }
0xbd: {  	_ =	sfence.sel $0xFFFF  }
0xbe: {  	[dreg:$0x0] =	wrdreg $0xFFFFFFFF;
	(pc) =	sbr.abs _section_cstart, $3  }
0xbf: {  	[dreg:$0x1] =	wrdreg $0xFFFFFFFF  }
0xc0: {  	_ =	task.clear_ibuf [dreg:s6], $0x2FFFF;
	_ =	strace $0x9FFFFFFF  }
0xc1: {  	(tm) =	ssettm $0x7FFFFFFF  }
tec
execute0_lowered:
.L_overlay_start_1:
0x0: {  	(tag) =	ssettag $0x1  }
0x1: {  	s1 =	srdreg.scid  }
0x2: {  	s0 =	stileid.u32;
	s1 =	sand.u32 $0x1, s1  }
0x3: {  	s2 =	sshll.u32 s0, $0x5;
	s3 =	sshll.u32 s1, $0x4  }
0x4: {  	s5 =	rddreg [dreg:$0x0];
	s3 =	sor.u32 s3, s2;
	s2 =	simm.s32 $0x0  }
0x5: {  	s26 =	simm.s32 $0x880;
	[smem:$0x7FF] =	sst s2  }
0x6: {  	s0 =	simm.s32 $0x1080;
	_ =	strace $0x8000004A;
	[dreg:$0x4] =	wrdreg s26  }
0x7: {  	s6 =	simm.s32 $0x2080;
	[dreg:$0x5] =	wrdreg s0  }
0x8: {  	s7 =	simm.s32 $0x2880;
	[dreg:$0x7] =	wrdreg s6  }
0x9: {  	s8 =	simm.s32 $0x3080;
	[dreg:$0x8] =	wrdreg s7  }
0xa: {  	s9 =	simm.s32 $0x3880;
	[dreg:$0x9] =	wrdreg s8  }
0xb: {  	s10 =	simm.s32 $0x4080;
	[dreg:$0xa] =	wrdreg s9  }
0xc: {  	s11 =	simm.s32 $0x4880;
	[dreg:$0xb] =	wrdreg s10  }
0xd: {  	s12 =	simm.s32 $0x5080;
	[dreg:$0xc] =	wrdreg s11  }
0xe: {  	s13 =	simm.s32 $0x5880;
	[dreg:$0xd] =	wrdreg s12  }
0xf: {  	s14 =	simm.s32 $0x6080;
	[dreg:$0xe] =	wrdreg s13  }
0x10: {  	s15 =	simm.s32 $0x6880;
	[dreg:$0xf] =	wrdreg s14  }
0x11: {  	s16 =	simm.s32 $0x7080;
	[dreg:$0x10] =	wrdreg s15  }
0x12: {  	s17 =	simm.s32 $0x7880;
	s18 =	simm.s32 $0x8080;
	[dreg:$0x11] =	wrdreg s16  }
0x13: {  	s19 =	simm.s32 $0x8880;
	s20 =	simm.s32 $0x9080;
	[dreg:$0x12] =	wrdreg s17  }
0x14: {  	s21 =	simm.s32 $0x9880;
	s22 =	simm.s32 $0xA080;
	[dreg:$0x13] =	wrdreg s18  }
0x15: {  	s23 =	simm.s32 $0xA880;
	s24 =	simm.s32 $0xB880;
	[dreg:$0x14] =	wrdreg s19  }
0x16: {  	s28 =	simm.s32 $0x16080;
	s29 =	simm.s32 $0x16880;
	[dreg:$0x15] =	wrdreg s20  }
0x17: {  	s30 =	simm.s32 $0x17080;
	s31 =	simm.s32 $0x17880;
	[dreg:$0x16] =	wrdreg s21  }
0x18: {  	s4 =	smul.u32 $0x300, s3;
	s3 =	sadd.s32 s3, s5;
	[dreg:$0x17] =	wrdreg s22  }
0x19: {  	s1 =	ssub.s32 $0x2, s1;
	s3 =	sadd.s32 $0xE00, s3;
	[dreg:$0x18] =	wrdreg s23  }
0x1a: {  	s6 =	sshrl.u32 s1, $0x1;
	s7 =	simm.s32 $0xB080;
	[dreg:$0x1a] =	wrdreg s24  }
0x1b: {  	s8 =	simm.s32 $0x80;
	s26 =	simm.s32 $0xC880;
	s10 =	simm.s32 $0xD880  }
0x1c: {  	s11 =	simm.s32 $0xE080;
	s12 =	simm.s32 $0xE880;
	s13 =	simm.s32 $0xF080  }
0x1d: {  	s14 =	simm.s32 $0xF880;
	s15 =	simm.s32 $0x10080;
	s16 =	simm.s32 $0x10880  }
0x1e: {  	s17 =	simm.s32 $0x11080;
	s18 =	simm.s32 $0x11880;
	s19 =	simm.s32 $0x12080  }
0x1f: {  	s20 =	simm.s32 $0x12880;
	s21 =	simm.s32 $0x13080;
	s22 =	simm.s32 $0x13880  }
0x20: {  	s23 =	simm.s32 $0x14080;
	s24 =	simm.s32 $0x14880;
	[dreg:$0x2] =	wrdreg s3  }
0x21: {  	s4 =	sadd.s32 s4, s5;
	s3 =	sadd.s32 $0x1000, s5;
	[dreg:$0x19] =	wrdreg s7  }
0x22: {  	s1 =	ssub.s32 s1, s6;
	s7 =	simm.s32 $0x2;
	[dreg:$0x1c] =	wrdreg s26  }
0x23: {  	s26 =	simm.s32 $0x15880;
	s25 =	sadd.s32 $0x79000, s4;
	s4 =	simm.s32 $0x1880  }
0x24: {  	v2 =	vlaneseq.u32;
	s6 =	smax.u32 s1, $0x1;
	s1 =	simm.s32 $0x1;
	[dreg:$0x3] =	wrdreg s25  }
0x25: {  	vm0 =	vmmov $0xffff;
	v1 =	vshrl.u32 v2, $0x3;
	[dreg:$0x6] =	wrdreg s4;
	s4 =	sadd.s32 $0x1100, s5;
	s25 =	simm.s32 $0xC080  }
0x26: {  	v0 =	vand.u32 $0x7, v2;
	v2 =	vor.u32 $0x8, v2;
	v1 =	vmul.u32 $0x8, v1;
	s5 =	sadd.s32 $0x1200, s5;
	[dreg:$0x1b] =	wrdreg s25;
	s25 =	simm.s32 $0x15080  }
.LBB2_1:
0x27: {  	s0 =	rddreg [dreg:$0x2]  }
0x28: {  	[tilespmem:s2], [sflag:$0x2] =	stream.linear.gather [hbm4b:s0+s2], $0x80, $0x38;
	[tilespmem:$0x18080] =	vst v63  }
0x29: {  	_ =	swait.ge [sflag:s7], $0x80  }
0x2a: {  	[sflag:s7] =	ssyncset.done $0x0  }
0x2b: {  	[sflag:s7] =	ssyncadd.s32 $0xFFFFFF80  }
0x2c: {  	v3 =	vld [tilespmem:$0x0];
	_ =	sdelay $0x4  }
0x2d: {  	v4 =	vshrl.u32 v3, $0x3  }
0x2e: {  	v4 =	vmul.u32 $0x30, v4  }
0x2f: {  	v3 =	vand.u32 $0x7, v3  }
0x30: {  	v3 =	vor.u32 v3, v4  }
0x31: {  	v4 =	vperm.xlane v3, v0;
	_ =	sdelay $0x1  }
0x32: {  	v4 =	vadd.s32 v1, v4;
	_ =	sdelay $0x3  }
0x33: {  	v3 =	vperm.xlane v3, v2  }
0x34: {  	[tilespmem:s8], [sflag:$0x1] =	stream.indirect_vreg.gather [hbm4b:s3+s2], $0x80, v4, vm0, $0xb8;
	[tilespmem:$0x18080] =	vst v63  }
0x35: {  	s0 =	rddreg [dreg:$0x4];
	v3 =	vadd.s32 v1, v3  }
0x36: {  	[tilespmem:s0], [sflag:$0x1] =	stream.indirect_vreg.gather [hbm4b:s4+s2], $0x80, v4, vm0, $0xb8;
	[tilespmem:$0x18080] =	vst v63  }
0x37: {  	s9 =	rddreg [dreg:$0x5]  }
0x38: {  	[tilespmem:s9], [sflag:$0x1] =	stream.indirect_vreg.gather [hbm4b:s5+s2], $0x80, v4, vm0, $0xb8;
	[tilespmem:$0x18080] =	vst v63  }
0x39: {  	s0 =	rddreg [dreg:$0x6]  }
0x3a: {  	[tilespmem:s0], [sflag:$0x1] =	stream.indirect_vreg.gather [hbm4b:s3+s2], $0x80, v3, vm0, $0xb8;
	[tilespmem:$0x18080] =	vst v63  }
0x3b: {  	s9 =	rddreg [dreg:$0x7]  }
0x3c: {  	[tilespmem:s9], [sflag:$0x1] =	stream.indirect_vreg.gather [hbm4b:s4+s2], $0x80, v3, vm0, $0xb8;
	[tilespmem:$0x18080] =	vst v63  }
0x3d: {  	s0 =	rddreg [dreg:$0x8]  }
0x3e: {  	[tilespmem:s0], [sflag:$0x1] =	stream.indirect_vreg.gather [hbm4b:s5+s2], $0x80, v3, vm0, $0xb8;
	[tilespmem:$0x18080] =	vst v63  }
0x3f: {  	v3 =	vld [tilespmem:$0x10];
	_ =	sdelay $0x4  }
0x40: {  	v57 =	vshrl.u32 v3, $0x3  }
0x41: {  	v4 =	vmul.u32 $0x30, v57  }
0x42: {  	v3 =	vand.u32 $0x7, v3  }
0x43: {  	v3 =	vor.u32 v3, v4  }
0x44: {  	v4 =	vperm.xlane v3, v0;
	_ =	sdelay $0x1  }
0x45: {  	v4 =	vadd.s32 v1, v4;
	_ =	sdelay $0x3  }
0x46: {  	s0 =	rddreg [dreg:$0x9];
	v3 =	vperm.xlane v3, v2  }
0x47: {  	[tilespmem:s0], [sflag:$0x1] =	stream.indirect_vreg.gather [hbm4b:s3+s2], $0x80, v4, vm0, $0xb8;
	[tilespmem:$0x18080] =	vst v63  }
0x48: {  	s9 =	rddreg [dreg:$0xa];
	v3 =	vadd.s32 v1, v3  }
0x49: {  	[tilespmem:s9], [sflag:$0x1] =	stream.indirect_vreg.gather [hbm4b:s4+s2], $0x80, v4, vm0, $0xb8;
	[tilespmem:$0x18080] =	vst v63  }
0x4a: {  	s0 =	rddreg [dreg:$0xb]  }
0x4b: {  	[tilespmem:s0], [sflag:$0x1] =	stream.indirect_vreg.gather [hbm4b:s5+s2], $0x80, v4, vm0, $0xb8;
	[tilespmem:$0x18080] =	vst v63  }
0x4c: {  	s9 =	rddreg [dreg:$0xc]  }
0x4d: {  	[tilespmem:s9], [sflag:$0x1] =	stream.indirect_vreg.gather [hbm4b:s3+s2], $0x80, v3, vm0, $0xb8;
	[tilespmem:$0x18080] =	vst v63  }
0x4e: {  	s0 =	rddreg [dreg:$0xd]  }
0x4f: {  	[tilespmem:s0], [sflag:$0x1] =	stream.indirect_vreg.gather [hbm4b:s4+s2], $0x80, v3, vm0, $0xb8;
	[tilespmem:$0x18080] =	vst v63  }
0x50: {  	s9 =	rddreg [dreg:$0xe]  }
0x51: {  	[tilespmem:s9], [sflag:$0x1] =	stream.indirect_vreg.gather [hbm4b:s5+s2], $0x80, v3, vm0, $0xb8;
	[tilespmem:$0x18080] =	vst v63  }
0x52: {  	v3 =	vld [tilespmem:$0x20];
	_ =	sdelay $0x4  }
0x53: {  	v58 =	vshrl.u32 v3, $0x3  }
0x54: {  	v4 =	vmul.u32 $0x30, v58  }
0x55: {  	v3 =	vand.u32 $0x7, v3  }
0x56: {  	v3 =	vor.u32 v3, v4  }
0x57: {  	v4 =	vperm.xlane v3, v0;
	_ =	sdelay $0x1  }
0x58: {  	v4 =	vadd.s32 v1, v4;
	_ =	sdelay $0x3  }
0x59: {  	s0 =	rddreg [dreg:$0xf];
	v3 =	vperm.xlane v3, v2  }
0x5a: {  	[tilespmem:s0], [sflag:$0x1] =	stream.indirect_vreg.gather [hbm4b:s3+s2], $0x80, v4, vm0, $0xb8;
	[tilespmem:$0x18080] =	vst v63  }
0x5b: {  	s9 =	rddreg [dreg:$0x10];
	v3 =	vadd.s32 v1, v3  }
0x5c: {  	[tilespmem:s9], [sflag:$0x1] =	stream.indirect_vreg.gather [hbm4b:s4+s2], $0x80, v4, vm0, $0xb8;
	[tilespmem:$0x18080] =	vst v63  }
0x5d: {  	s0 =	rddreg [dreg:$0x11]  }
0x5e: {  	[tilespmem:s0], [sflag:$0x1] =	stream.indirect_vreg.gather [hbm4b:s5+s2], $0x80, v4, vm0, $0xb8;
	[tilespmem:$0x18080] =	vst v63  }
0x5f: {  	s9 =	rddreg [dreg:$0x12]  }
0x60: {  	[tilespmem:s9], [sflag:$0x1] =	stream.indirect_vreg.gather [hbm4b:s3+s2], $0x80, v3, vm0, $0xb8;
	[tilespmem:$0x18080] =	vst v63  }
0x61: {  	s0 =	rddreg [dreg:$0x13]  }
0x62: {  	[tilespmem:s0], [sflag:$0x1] =	stream.indirect_vreg.gather [hbm4b:s4+s2], $0x80, v3, vm0, $0xb8;
	[tilespmem:$0x18080] =	vst v63  }
0x63: {  	s9 =	rddreg [dreg:$0x14]  }
0x64: {  	[tilespmem:s9], [sflag:$0x1] =	stream.indirect_vreg.gather [hbm4b:s5+s2], $0x80, v3, vm0, $0xb8;
	[tilespmem:$0x18080] =	vst v63  }
0x65: {  	v3 =	vld [tilespmem:$0x30];
	_ =	sdelay $0x4  }
0x66: {  	v59 =	vshrl.u32 v3, $0x3  }
0x67: {  	v4 =	vmul.u32 $0x30, v59  }
0x68: {  	v3 =	vand.u32 $0x7, v3  }
0x69: {  	v3 =	vor.u32 v3, v4  }
0x6a: {  	v4 =	vperm.xlane v3, v0;
	_ =	sdelay $0x1  }
0x6b: {  	v4 =	vadd.s32 v1, v4;
	_ =	sdelay $0x3  }
0x6c: {  	s0 =	rddreg [dreg:$0x15];
	v3 =	vperm.xlane v3, v2  }
0x6d: {  	[tilespmem:s0], [sflag:$0x1] =	stream.indirect_vreg.gather [hbm4b:s3+s2], $0x80, v4, vm0, $0xb8;
	[tilespmem:$0x18080] =	vst v63  }
0x6e: {  	s9 =	rddreg [dreg:$0x16];
	v3 =	vadd.s32 v1, v3  }
0x6f: {  	[tilespmem:s9], [sflag:$0x1] =	stream.indirect_vreg.gather [hbm4b:s4+s2], $0x80, v4, vm0, $0xb8;
	[tilespmem:$0x18080] =	vst v63  }
0x70: {  	s0 =	rddreg [dreg:$0x17]  }
0x71: {  	[tilespmem:s0], [sflag:$0x1] =	stream.indirect_vreg.gather [hbm4b:s5+s2], $0x80, v4, vm0, $0xb8;
	[tilespmem:$0x18080] =	vst v63  }
0x72: {  	s9 =	rddreg [dreg:$0x18]  }
0x73: {  	[tilespmem:s9], [sflag:$0x1] =	stream.indirect_vreg.gather [hbm4b:s3+s2], $0x80, v3, vm0, $0xb8;
	[tilespmem:$0x18080] =	vst v63  }
0x74: {  	s0 =	rddreg [dreg:$0x19]  }
0x75: {  	[tilespmem:s0], [sflag:$0x1] =	stream.indirect_vreg.gather [hbm4b:s4+s2], $0x80, v3, vm0, $0xb8;
	[tilespmem:$0x18080] =	vst v63  }
0x76: {  	s9 =	rddreg [dreg:$0x1a]  }
0x77: {  	[tilespmem:s9], [sflag:$0x1] =	stream.indirect_vreg.gather [hbm4b:s5+s2], $0x80, v3, vm0, $0xb8;
	[tilespmem:$0x18080] =	vst v63  }
0x78: {  	v3 =	vld [tilespmem:$0x40];
	_ =	sdelay $0x4  }
0x79: {  	v60 =	vshrl.u32 v3, $0x3  }
0x7a: {  	v4 =	vmul.u32 $0x30, v60  }
0x7b: {  	v3 =	vand.u32 $0x7, v3  }
0x7c: {  	v3 =	vor.u32 v3, v4  }
0x7d: {  	v4 =	vperm.xlane v3, v0;
	_ =	sdelay $0x1  }
0x7e: {  	v4 =	vadd.s32 v1, v4;
	_ =	sdelay $0x3  }
0x7f: {  	s0 =	rddreg [dreg:$0x1b];
	v3 =	vperm.xlane v3, v2  }
0x80: {  	[tilespmem:s0], [sflag:$0x1] =	stream.indirect_vreg.gather [hbm4b:s3+s2], $0x80, v4, vm0, $0xb8;
	[tilespmem:$0x18080] =	vst v63  }
0x81: {  	s9 =	rddreg [dreg:$0x1c];
	v3 =	vadd.s32 v1, v3  }
0x82: {  	[tilespmem:s9], [sflag:$0x1] =	stream.indirect_vreg.gather [hbm4b:s4+s2], $0x80, v4, vm0, $0xb8;
	[tilespmem:$0x18080] =	vst v63  }
0x83: {  	s9 =	simm.s32 $0xD080  }
0x84: {  	[tilespmem:s9], [sflag:$0x1] =	stream.indirect_vreg.gather [hbm4b:s5+s2], $0x80, v4, vm0, $0xb8;
	[tilespmem:$0x18080] =	vst v63  }
0x85: {  	_ = 	snop  }
0x86: {  	[tilespmem:s10], [sflag:$0x1] =	stream.indirect_vreg.gather [hbm4b:s3+s2], $0x80, v3, vm0, $0xb8;
	[tilespmem:$0x18080] =	vst v63  }
0x87: {  	_ = 	snop  }
0x88: {  	[tilespmem:s11], [sflag:$0x1] =	stream.indirect_vreg.gather [hbm4b:s4+s2], $0x80, v3, vm0, $0xb8;
	[tilespmem:$0x18080] =	vst v63  }
0x89: {  	_ = 	snop  }
0x8a: {  	[tilespmem:s12], [sflag:$0x1] =	stream.indirect_vreg.gather [hbm4b:s5+s2], $0x80, v3, vm0, $0xb8;
	[tilespmem:$0x18080] =	vst v63  }
0x8b: {  	v3 =	vld [tilespmem:$0x50];
	_ =	sdelay $0x4  }
0x8c: {  	v61 =	vshrl.u32 v3, $0x3  }
0x8d: {  	v4 =	vmul.u32 $0x30, v61  }
0x8e: {  	v3 =	vand.u32 $0x7, v3  }
0x8f: {  	v3 =	vor.u32 v3, v4  }
0x90: {  	v4 =	vperm.xlane v3, v0;
	_ =	sdelay $0x1  }
0x91: {  	v4 =	vadd.s32 v1, v4;
	_ =	sdelay $0x3  }
0x92: {  	v3 =	vperm.xlane v3, v2  }
0x93: {  	[tilespmem:s13], [sflag:$0x1] =	stream.indirect_vreg.gather [hbm4b:s3+s2], $0x80, v4, vm0, $0xb8;
	[tilespmem:$0x18080] =	vst v63  }
0x94: {  	v3 =	vadd.s32 v1, v3  }
0x95: {  	[tilespmem:s14], [sflag:$0x1] =	stream.indirect_vreg.gather [hbm4b:s4+s2], $0x80, v4, vm0, $0xb8;
	[tilespmem:$0x18080] =	vst v63  }
0x96: {  	_ = 	snop  }
0x97: {  	[tilespmem:s15], [sflag:$0x1] =	stream.indirect_vreg.gather [hbm4b:s5+s2], $0x80, v4, vm0, $0xb8;
	[tilespmem:$0x18080] =	vst v63  }
0x98: {  	_ = 	snop  }
0x99: {  	[tilespmem:s16], [sflag:$0x1] =	stream.indirect_vreg.gather [hbm4b:s3+s2], $0x80, v3, vm0, $0xb8;
	[tilespmem:$0x18080] =	vst v63  }
0x9a: {  	_ = 	snop  }
0x9b: {  	[tilespmem:s17], [sflag:$0x1] =	stream.indirect_vreg.gather [hbm4b:s4+s2], $0x80, v3, vm0, $0xb8;
	[tilespmem:$0x18080] =	vst v63  }
0x9c: {  	_ = 	snop  }
0x9d: {  	[tilespmem:s18], [sflag:$0x1] =	stream.indirect_vreg.gather [hbm4b:s5+s2], $0x80, v3, vm0, $0xb8;
	[tilespmem:$0x18080] =	vst v63  }
0x9e: {  	v3 =	vld [tilespmem:$0x60];
	_ =	sdelay $0x4  }
0x9f: {  	v62 =	vshrl.u32 v3, $0x3  }
0xa0: {  	v4 =	vmul.u32 $0x30, v62  }
0xa1: {  	v3 =	vand.u32 $0x7, v3  }
0xa2: {  	v3 =	vor.u32 v3, v4  }
0xa3: {  	v4 =	vperm.xlane v3, v0;
	_ =	sdelay $0x1  }
0xa4: {  	v4 =	vadd.s32 v1, v4;
	_ =	sdelay $0x3  }
0xa5: {  	v3 =	vperm.xlane v3, v2  }
0xa6: {  	[tilespmem:s19], [sflag:$0x1] =	stream.indirect_vreg.gather [hbm4b:s3+s2], $0x80, v4, vm0, $0xb8;
	[tilespmem:$0x18080] =	vst v63  }
0xa7: {  	v3 =	vadd.s32 v1, v3  }
0xa8: {  	[tilespmem:s20], [sflag:$0x1] =	stream.indirect_vreg.gather [hbm4b:s4+s2], $0x80, v4, vm0, $0xb8;
	[tilespmem:$0x18080] =	vst v63  }
0xa9: {  	_ = 	snop  }
0xaa: {  	[tilespmem:s21], [sflag:$0x1] =	stream.indirect_vreg.gather [hbm4b:s5+s2], $0x80, v4, vm0, $0xb8;
	[tilespmem:$0x18080] =	vst v63  }
0xab: {  	_ = 	snop  }
0xac: {  	[tilespmem:s22], [sflag:$0x1] =	stream.indirect_vreg.gather [hbm4b:s3+s2], $0x80, v3, vm0, $0xb8;
	[tilespmem:$0x18080] =	vst v63  }
0xad: {  	_ = 	snop  }
0xae: {  	[tilespmem:s23], [sflag:$0x1] =	stream.indirect_vreg.gather [hbm4b:s4+s2], $0x80, v3, vm0, $0xb8;
	[tilespmem:$0x18080] =	vst v63  }
0xaf: {  	_ = 	snop  }
0xb0: {  	[tilespmem:s24], [sflag:$0x1] =	stream.indirect_vreg.gather [hbm4b:s5+s2], $0x80, v3, vm0, $0xb8;
	[tilespmem:$0x18080] =	vst v63  }
0xb1: {  	v3 =	vld [tilespmem:$0x70];
	_ =	sdelay $0x4  }
0xb2: {  	v63 =	vshrl.u32 v3, $0x3  }
0xb3: {  	v4 =	vmul.u32 $0x30, v63  }
0xb4: {  	v3 =	vand.u32 $0x7, v3  }
0xb5: {  	v3 =	vor.u32 v3, v4  }
0xb6: {  	v4 =	vperm.xlane v3, v0;
	_ =	sdelay $0x1  }
0xb7: {  	v4 =	vadd.s32 v1, v4;
	_ =	sdelay $0x3  }
0xb8: {  	v3 =	vperm.xlane v3, v2  }
0xb9: {  	[tilespmem:s25], [sflag:$0x1] =	stream.indirect_vreg.gather [hbm4b:s3+s2], $0x80, v4, vm0, $0xb8;
	[tilespmem:$0x18080] =	vst v63  }
0xba: {  	v3 =	vadd.s32 v1, v3  }
0xbb: {  	[tilespmem:s26], [sflag:$0x1] =	stream.indirect_vreg.gather [hbm4b:s4+s2], $0x80, v4, vm0, $0xb8;
	[tilespmem:$0x18080] =	vst v63  }
0xbc: {  	_ = 	snop  }
0xbd: {  	[tilespmem:s28], [sflag:$0x1] =	stream.indirect_vreg.gather [hbm4b:s5+s2], $0x80, v4, vm0, $0xb8;
	[tilespmem:$0x18080] =	vst v63  }
0xbe: {  	_ = 	snop  }
0xbf: {  	[tilespmem:s29], [sflag:$0x1] =	stream.indirect_vreg.gather [hbm4b:s3+s2], $0x80, v3, vm0, $0xb8;
	[tilespmem:$0x18080] =	vst v63  }
0xc0: {  	_ = 	snop  }
0xc1: {  	[tilespmem:s30], [sflag:$0x1] =	stream.indirect_vreg.gather [hbm4b:s4+s2], $0x80, v3, vm0, $0xb8;
	[tilespmem:$0x18080] =	vst v63  }
0xc2: {  	_ = 	snop  }
0xc3: {  	[tilespmem:s31], [sflag:$0x1] =	stream.indirect_vreg.gather [hbm4b:s5+s2], $0x80, v3, vm0, $0xb8;
	[tilespmem:$0x18080] =	vst v63  }
0xc4: {  	_ =	swait.ge [sflag:s1], $0x18000  }
0xc5: {  	p0 =	sne.s32 s6, $0x1;
	[sflag:s1] =	ssyncset.done $0x0  }
.Ltmp0:
0xc6: {  	s9 =	rddreg [dreg:$0x3];
	[sflag:s1] =	ssyncadd.s32 $0xFFFE8000;
	(pc) =	sbr.rel @p0 .LBB2_1-.Ltmp0, $4  }
0xc7: {  	[hbm4b:s9+s2] =	stream.linear.scatter [tilespmem:s8], [sflag:$0x2], $0x18000, $0x38;
	[tilespmem:$0x18080] =	vst v63  }
0xc8: {  	_ =	swait.ge [sflag:s7], $0x18000  }
0xc9: {  	[sflag:s7] =	ssyncset.done $0x0  }
0xca: {  	s6 =	sadd.s32 $0xFFFFFFFF, s6;
	[sflag:s7] =	ssyncadd.s32 $0xFFFE8000  }
0xcb: {  	_ =	sfence.sel $0x180000  }
0xcc: {  	[bflag:$0x0] =	sbarrier.arrive $0xFFFF  }
0xcd: {  	_ =	strace $0x9000004A  }
0xce: {  	s0 =	stileid.u32;
	[bflag:$0x2] =	sbarrier.arrive $0xFFFF  }
0xcf: {  	p0 =	sne.s32 s0, $0x0;
	s0 =	rddreg [dreg:$0x1]  }
0xd0: {  	s0 =	sadd.s32 @!p0 $0x100000, s0  }
0xd1: {  	[sflag:s0] =	ssyncadd.tile.s32 @!p0 $0x1;
	_ =	shalt  }
.Lfunc_end2:
_tile_overlayer_lowered:
.L_overlay_start_2:
0xd2: {  	(tag) =	ssettag $0x2  }
0xd3: {  	s0 =	rddreg [dreg:$0x0];
	s2 =	stileid.u32  }
0xd4: {  	s1 =	rddreg [dreg:$0x1];
	p0 =	sne.s32 s2, $0x0  }
0xd5: {  	s3 =	rddreg [dreg:$0x2];
	[bflag:$0x3] =	sbarrier.arrive $0xFFFF;
	s2 =	simm.s32 @!p0 $0x1C02  }
0xd6: {  	[timem:s3], [sflag:s2] =	dma.local @!p0 [hbm:s0], s1  }
0xd7: {  	s0 =	simm.s32 @!p0 $0x2  }
0xd8: {  	_ =	swait.ge @!p0 [sflag:s0], s1  }
0xd9: {  	s1 =	ssub.s32 @!p0 $0x0, s1;
	[sflag:s0] =	ssyncset.done @!p0 $0x0  }
0xda: {  	[sflag:s0] =	ssyncadd.s32 @!p0 s1  }
0xdb: {  	[bflag:$0x3] =	sbarrier.arrive $0xFFFF  }
0xdc: {  	_ =	shalt  }

// kernel: kernel.9.cloned.1.call-start
scs
__scs_entry_jumppad:
0x0: {  	(pc) =	sbr.rel $0x88, $3  }
0x1: {  	(tag) =	ssettag $0x0;
	lr =	simm.s32 $0x1  }
0x2: {  	[smem:$0x3F99] =	sst lr;
	_ =	strace $0xD0000000  }
0x3: {  	_ = 	snop  }
0x4: {  	_ = 	snop  }
0x5: {  	_ = 	snop  }
0x6: {  	_ = 	snop  }
0x7: {  	_ = 	snop  }
__scs_overlays_trampoline_lowered:
0x8: {  	[smem:$0x3FA8] =	sst s0  }
0x9: {  	[smem:$0x3FA9] =	sst s1  }
0xa: {  	[smem:$0x3FAA] =	sst s2  }
0xb: {  	[smem:$0x3FAB] =	sst s3  }
0xc: {  	[smem:$0x3FAC] =	sst s4  }
0xd: {  	[smem:$0x3FAD] =	sst s5  }
0xe: {  	[smem:$0x3FAE] =	sst s6  }
0xf: {  	[smem:$0x3FAF] =	sst s7  }
0x10: {  	[smem:$0x3FB0] =	sst s8  }
0x11: {  	[smem:$0x3FB1] =	sst s9;
	s0 =	simm.s32 @!p0 $0x0  }
0x12: {  	s1 =	sld [smem:$0x3F97];
	s0 =	simm.s32 @p0 $0x1  }
0x13: {  	[smem:$0x3FB2] =	sst s0;
	s0 =	simm.s32 @!p1 $0x0  }
0x14: {  	s2 =	sld [smem:$0x3F96];
	s0 =	simm.s32 @p1 $0x1  }
0x15: {  	[smem:$0x3FB3] =	sst s0;
	s0 =	simm.s32 @!p2 $0x0  }
0x16: {  	s3 =	sld [smem:$0x3FDB];
	s0 =	simm.s32 @p2 $0x1  }
0x17: {  	s4 =	simm.s32 $0x1BF5;
	[smem:$0x3FB5] =	sst s0  }
0x18: {  	s0 =	sld [smem:$0x3F98];
	_ =	swait.ge [sflag:s4], $0x0  }
0x19: {  	s7 =	sld [smem:$0x3F99]  }
0x1a: {  	s8 =	sadd.s32 $0xFFFFE003, lr  }
0x1b: {  	s9 =	sadd.s32 $0xFFFFFEF7, lr;
	s5 =	simm.s32 $0xFFFFFFFF;
	p2 =	slt.u32 s8, $0xFFFFF086  }
0x1c: {  	p1 =	slt.u32 s9, $0xF7A;
	s5 =	simm.s32 @!p2 $0x0  }
0x1d: {  	s5 =	simm.s32 @p1 $0x1;
	p0 =	seq.s32 s7, s2  }
0x1e: {  	s7 =	smul.u32 @!p0 $0xF7A, s2;
	p2 =	seq.s32 @!p0 s5, $0x0  }
0x1f: {  	s9 =	smul.u32 $0xF7A, s1;
	s8 =	simm.s32 @!p0 $0x1BF5;
	p2 =	por !p2, p0  }
0x20: {  	[sflag:s8] =	ssyncset.s32 @!p0 $0xFFFFF086;
	s6 =	sadd.s32 @!p0 s3, s7;
	s7 =	simm.s32 @!p0 $0x108  }
0x21: {  	s3 =	sadd.s32 s3, s9;
	s6 =	sadd.s32 @!p0 $0x88, s6;
	s7 =	simm.s32 @p2 $0x1082  }
0x22: {  	[simem:s7], [sflag:s8] =	dma.local @!p0 [hbm:s6], $0xF7A  }
0x23: {  	s9 =	sor.u32 $0xD0000000, s2;
	s6 =	simm.s32 $0x108;
	_ =	swait.ge @!p0 [sflag:s8], $0x0  }
0x24: {  	s3 =	sadd.s32 $0x88, s3;
	s6 =	simm.s32 @!p1 $0x1082;
	[sflag:s4] =	ssyncset.s32 $0xFFFFF086  }
0x25: {  	[simem:s6], [sflag:s4] =	dma.local [hbm:s3], $0xF7A  }
0x26: {  	[smem:$0x3F99] =	sst s1;
	(tag) =	ssettag s2;
	_ =	strace s9  }
0x27: {  	s1 =	sld [smem:$0x3FA9]  }
0x28: {  	s2 =	sld [smem:$0x3FAA]  }
0x29: {  	s4 =	sld [smem:$0x3FAC]  }
0x2a: {  	p0 =	seq.s32 s5, $0x0;
	s5 =	sld [smem:$0x3FAD]  }
0x2b: {  	s6 =	sld [smem:$0x3FAE]  }
0x2c: {  	s7 =	sld [smem:$0x3FAF]  }
0x2d: {  	s3 =	simm.s32 $0x108;
	s8 =	sld [smem:$0x3FB0]  }
0x2e: {  	s3 =	simm.s32 @!p0 $0x1082;
	s9 =	sld [smem:$0x3FB1]  }
0x2f: {  	lr =	sadd.s32 s0, s3;
	s0 =	sld [smem:$0x3FA8]  }
0x30: {  	s3 =	sld [smem:$0x3FAB]  }
0x31: {  	[smem:$0x3FB4] =	sst s10  }
0x32: {  	s10 =	sld [smem:$0x3FB2];
	_ =	sdelay $0x3  }
0x33: {  	p0 =	seq.s32 s10, $0x1;
	s10 =	sld [smem:$0x3FB4];
	_ =	sdelay $0x3  }
0x34: {  	[smem:$0x3FB4] =	sst s10  }
0x35: {  	s10 =	sld [smem:$0x3FB3];
	_ =	sdelay $0x3  }
0x36: {  	p1 =	seq.s32 s10, $0x1;
	s10 =	sld [smem:$0x3FB4];
	_ =	sdelay $0x3  }
0x37: {  	[smem:$0x3FB4] =	sst s10  }
0x38: {  	s10 =	sld [smem:$0x3FB5]  }
0x39: {  	_ = 	snop;
	(pc) =	sbr.ind lr, $3  }
0x3a: {  	_ = 	snop  }
0x3b: {  	_ = 	snop  }
0x3c: {  	p2 =	seq.s32 s10, $0x1;
	s10 =	sld [smem:$0x3FB4]  }
0x3d: {  	_ =	shalt  }
0x3e: {  	_ =	shalt  }
0x3f: {  	_ =	shalt  }
0x40: {  	_ =	shalt  }
0x41: {  	_ =	shalt  }
0x42: {  	_ =	shalt  }
0x43: {  	_ =	shalt  }
0x44: {  	_ =	shalt  }
0x45: {  	_ =	shalt  }
0x46: {  	_ =	shalt  }
0x47: {  	_ =	shalt  }
0x48: {  	_ =	shalt  }
0x49: {  	_ =	shalt  }
0x4a: {  	_ =	shalt  }
0x4b: {  	_ =	shalt  }
0x4c: {  	_ =	shalt  }
0x4d: {  	_ =	shalt  }
0x4e: {  	_ =	shalt  }
0x4f: {  	_ =	shalt  }
0x50: {  	_ =	shalt  }
0x51: {  	_ =	shalt  }
0x52: {  	_ =	shalt  }
0x53: {  	_ =	shalt  }
0x54: {  	_ =	shalt  }
0x55: {  	_ =	shalt  }
0x56: {  	_ =	shalt  }
0x57: {  	_ =	shalt  }
0x58: {  	_ =	shalt  }
0x59: {  	_ =	shalt  }
0x5a: {  	_ =	shalt  }
0x5b: {  	_ =	shalt  }
0x5c: {  	_ =	shalt  }
0x5d: {  	_ =	shalt  }
0x5e: {  	_ =	shalt  }
0x5f: {  	_ =	shalt  }
0x60: {  	_ =	shalt  }
0x61: {  	_ =	shalt  }
0x62: {  	_ =	shalt  }
0x63: {  	_ =	shalt  }
0x64: {  	_ =	shalt  }
0x65: {  	_ =	shalt  }
0x66: {  	_ =	shalt  }
0x67: {  	_ =	shalt  }
0x68: {  	_ =	shalt  }
0x69: {  	_ =	shalt  }
0x6a: {  	_ =	shalt  }
0x6b: {  	_ =	shalt  }
0x6c: {  	_ =	shalt  }
0x6d: {  	_ =	shalt  }
0x6e: {  	_ =	shalt  }
0x6f: {  	_ =	shalt  }
0x70: {  	_ =	shalt  }
0x71: {  	_ =	shalt  }
0x72: {  	_ =	shalt  }
0x73: {  	_ =	shalt  }
0x74: {  	_ =	shalt  }
0x75: {  	_ =	shalt  }
0x76: {  	_ =	shalt  }
0x77: {  	_ =	shalt  }
0x78: {  	_ =	shalt  }
0x79: {  	_ =	shalt  }
0x7a: {  	_ =	shalt  }
0x7b: {  	_ =	shalt  }
0x7c: {  	_ =	shalt  }
0x7d: {  	_ =	shalt  }
0x7e: {  	_ =	shalt  }
0x7f: {  	_ =	shalt  }
0x80: {  	_ =	shalt  }
0x81: {  	_ =	shalt  }
0x82: {  	_ =	shalt  }
0x83: {  	_ =	shalt  }
0x84: {  	_ =	shalt  }
0x85: {  	_ =	shalt  }
0x86: {  	_ =	shalt  }
0x87: {  	_ =	shalt  }
.Lfunc_end0:
.L_simem_size_0:
called_computation_lowered:
.L_overlay_start_0:
0x88: {  	s2 =	sld [smem:$0x3FD9]  }
0x89: {  	s3 =	sld [smem:$0x3FFE];
	_ =	sdelay $0x1  }
0x8a: {  	s1 =	srdreg.scid  }
0x8b: {  	s0 =	sand.u32 $0x1, s1  }
0x8c: {  	s14 =	sshll.u32 s0, $0xA;
	s2 =	sadd.s32 s3, s2  }
0x8d: {  	s2 =	sadd.s32 s2, s14  }
0x8e: {  	[smem:$0x3FC0] =	sst s2  }
0x8f: {  	_ = 	snop  }
0x90: {  	s2 =	sld [smem:$0x3FD0];
	_ =	sdelay $0x2  }
0x91: {  	s15 =	simm.s32 $0xA;
	s4 =	simm.s32 $0x10  }
0x92: {  	[smem:s4], [sflag:s15] =	dma.local [hbm:s2], $0x1  }
0x93: {  	_ =	swait.eq [sflag:s15], $0x1  }
0x94: {  	[sflag:s15] =	ssyncset.done $0x0  }
0x95: {  	[sflag:s15] =	ssyncadd.s32 $0xFFFFFFFF  }
0x96: {  	s16 =	sld [smem:$0x10];
	(tm) =	ssettm $0x1  }
0x97: {  	s17 =	sld [smem:$0x3FFB];
	_ =	sdelay $0x3  }
0x98: {  	_ =	strace s17  }
0x99: {  	s3 =	sld [smem:$0x3FFC];
	_ =	sdelay $0x3  }
0x9a: {  	_ =	strace s3  }
0x9b: {  	s3 =	sld [smem:$0x3FFD];
	_ =	sdelay $0x3  }
0x9c: {  	_ =	strace s3  }
0x9d: {  	_ =	strace $0x8FFFFFFF  }
0x9e: {  	s18 =	sld [smem:$0x3FDB];
	_ =	sdelay $0x1  }
0x9f: {  	s19 =	simm.s32 $_scs_section_size  }
0xa0: {  	s5 =	simm.s32 $_size__tile_overlayer_lowered;
	s6 =	simm.s32 $_tile_overlayer_lowered  }
0xa1: {  	s22 =	simm.s32 $0x1BFF;
	s21 =	sshll.u32 s6, $0x1;
	s3 =	sadd.s32 s19, s18  }
0xa2: {  	s7 =	simm.s32 $0x0;
	s20 =	sshll.u32 s5, $0x1;
	s5 =	sadd.s32 s21, s3  }
0xa3: {  	[timem:s7], [sflag:s22] =	dma.local [hbm:s5], s20  }
0xa4: {  	_ =	swait.ge [sflag:s22], s20  }
0xa5: {  	s4 =	ssub.s32 $0x0, s20;
	[sflag:s22] =	ssyncset.done $0x0  }
0xa6: {  	[sflag:s22] =	ssyncadd.s32 s4;
	_ =	sdelay $0x1  }
0xa7: {  	s23 =	simm.s32 $0x1B8B  }
0xa8: {  	_ =	swait.ge [sflag:s23], $0x1  }
0xa9: {  	[sflag:s23] =	ssyncset.done $0x0  }
0xaa: {  	s25 =	simm.s32 $0x1B8E;
	s24 =	sld [smem:$0x3FFE];
	[sflag:s23] =	ssyncadd.s32 $0xFFFFFFFF  }
0xab: {  	s26 =	simm.s32 $execute0_lowered;
	[smem:$0x3FD2] =	sst s25  }
0xac: {  	s5 =	sshll.u32 s26, $0x1;
	_ =	strace $0x80000046;
	[dreg:$0x1] =	wrdreg $0xFFFFFFFF  }
0xad: {  	s28 =	simm.s32 $_size_execute0_lowered;
	s3 =	sadd.s32 s3, s5;
	[dreg:$0x0] =	wrdreg $0x0  }
0xae: {  	s5 =	sshll.u32 s28, $0x1;
	[dreg:$0x2] =	wrdreg s3  }
0xaf: {  	[dreg:$0x3] =	wrdreg s5  }
0xb0: {  	[dreg:$0x4] =	wrdreg $0xC0  }
0xb1: {  	_ =	task [dreg:s7], $0x5FFFF  }
0xb2: {  	[dreg:$0x1] =	wrdreg $0xFFFFFFFF  }
0xb3: {  	[dreg:$0x0] =	wrdreg $0x60  }
0xb4: {  	[dreg:$0x2] =	wrdreg s16  }
0xb5: {  	[dreg:$0x3] =	wrdreg s24  }
0xb6: {  	[dreg:$0x4] =	wrdreg $0x9  }
0xb7: {  	_ =	task.clear_ibuf [dreg:s7], $0x5FFFF;
	_ =	strace $0x90000046  }
0xb8: {  	s29 =	simm.s32 $0x9;
	_ =	strace $0x80000048  }
0xb9: {  	_ =	swait.ge [sflag:s29], $0x1  }
0xba: {  	[sflag:s29] =	ssyncadd.s32 $0xFFFFFFFF  }
0xbb: {  	_ =	strace $0x90000048  }
0xbc: {  	_ =	sfence  }
0xbd: {  	s30 =	sld [smem:$0x0];
	_ =	sdelay $0x2  }
0xbe: {  	s31 =	sshll.u32 s1, $0xD;
	s1 =	sshrl.u32 s1, $0x2  }
0xbf: {  	s3 =	sand.u32 $0x4000, s31;
	s1 =	sadd.s32 s1, s30  }
0xc0: {  	s0 =	sor.u32 s3, s0;
	s1 =	sshll.u32 s1, $0x11  }
0xc1: {  	s0 =	sor.u32 s1, s0  }
0xc2: {  	s0 =	sadd.s32 $0x8F2B, s0  }
0xc3: {  	[sflag:s0] =	ssyncadd.remote.s32 $0x1  }
0xc4: {  	_ =	sfence.sel $0xFFFF  }
0xc5: {  	[dreg:$0x0] =	wrdreg $0xFFFFFFFF;
	(pc) =	sbr.abs _section_cstart, $3  }
0xc6: {  	[dreg:$0x1] =	wrdreg $0xFFFFFFFF  }
0xc7: {  	_ =	task.clear_ibuf [dreg:s7], $0x2FFFF;
	_ =	strace $0x9FFFFFFF  }
0xc8: {  	(tm) =	ssettm $0x7FFFFFFF  }
0xc9: {  	_ =	shalt  }
tec
execute0_lowered:
.L_overlay_start_1:
0x0: {  	(tag) =	ssettag $0x1  }
0x1: {  	s1 =	srdreg.scid  }
0x2: {  	s0 =	stileid.u32;
	s4 =	sand.u32 $0x1, s1  }
0x3: {  	s3 =	rddreg [dreg:$0x0];
	s2 =	sshll.u32 s0, $0x5;
	s5 =	sshll.u32 s4, $0x4  }
0x4: {  	s1 =	rddreg [dreg:$0x1];
	s5 =	sor.u32 s5, s2;
	s2 =	simm.s32 $0x0  }
0x5: {  	s22 =	simm.s32 $0x80;
	[smem:$0x7FF] =	sst s2  }
0x6: {  	s23 =	simm.s32 $0x900;
	_ =	strace $0x80000047;
	[dreg:$0x7] =	wrdreg s22  }
0x7: {  	s24 =	simm.s32 $0x1100;
	[dreg:$0x8] =	wrdreg s23  }
0x8: {  	s25 =	simm.s32 $0x1900;
	[dreg:$0x9] =	wrdreg s24  }
0x9: {  	s26 =	simm.s32 $0x2100;
	[dreg:$0xa] =	wrdreg s25  }
0xa: {  	s9 =	simm.s32 $0x5100;
	s0 =	simm.s32 $0x2900;
	[dreg:$0xb] =	wrdreg s26  }
0xb: {  	s10 =	simm.s32 $0x5900;
	s11 =	simm.s32 $0x6100;
	[dreg:$0xc] =	wrdreg s0  }
0xc: {  	s12 =	simm.s32 $0x6900;
	s13 =	simm.s32 $0x7100;
	[dreg:$0x11] =	wrdreg s9  }
0xd: {  	s14 =	simm.s32 $0x7900;
	s15 =	simm.s32 $0x8100;
	[dreg:$0x12] =	wrdreg s10  }
0xe: {  	s16 =	simm.s32 $0x8900;
	s17 =	simm.s32 $0x9100;
	[dreg:$0x13] =	wrdreg s11  }
0xf: {  	s18 =	simm.s32 $0x9900;
	s20 =	simm.s32 $0xA100;
	[dreg:$0x14] =	wrdreg s12  }
0x10: {  	s28 =	simm.s32 $0x16900;
	s29 =	simm.s32 $0x17100;
	[dreg:$0x15] =	wrdreg s13  }
0x11: {  	s30 =	simm.s32 $0x17900;
	s4 =	ssub.s32 $0x2, s4;
	[dreg:$0x16] =	wrdreg s14  }
0x12: {  	s31 =	simm.s32 $0x1;
	s19 =	sshrl.u32 s4, $0x1;
	[dreg:$0x17] =	wrdreg s15  }
0x13: {  	s6 =	sand.u32 $0xF0, s5;
	s5 =	sadd.s32 s5, s1;
	[dreg:$0x18] =	wrdreg s16  }
0x14: {  	s7 =	smul.u32 $0x1800, s6;
	s8 =	sadd.s32 $0xE00, s5;
	[dreg:$0x19] =	wrdreg s17  }
0x15: {  	s6 =	smul.u32 $0x300, s6;
	s5 =	sadd.s32 $0xE08, s5;
	[dreg:$0x1a] =	wrdreg s18  }
0x16: {  	[dreg:$0x1b] =	wrdreg s20;
	s22 =	simm.s32 $0xB100;
	s23 =	simm.s32 $0xB900  }
0x17: {  	s24 =	simm.s32 $0xC900;
	s25 =	simm.s32 $0xD100;
	s26 =	simm.s32 $0xD900  }
0x18: {  	s9 =	simm.s32 $0xC100;
	s11 =	simm.s32 $0xE900;
	[dreg:$0x3] =	wrdreg s8  }
0x19: {  	s12 =	simm.s32 $0xF100;
	s13 =	simm.s32 $0xF900;
	[dreg:$0x4] =	wrdreg s5  }
0x1a: {  	s14 =	simm.s32 $0x10100;
	s15 =	simm.s32 $0x10900;
	[dreg:$0x1d] =	wrdreg s22  }
0x1b: {  	s16 =	simm.s32 $0x11100;
	s17 =	simm.s32 $0x11900;
	[dreg:$0x1e] =	wrdreg s23  }
0x1c: {  	s18 =	simm.s32 $0x12100;
	s20 =	simm.s32 $0x13100;
	[dreg:$0x1f] =	wrdreg s24  }
0x1d: {  	s5 =	simm.s32 $0x3100;
	s8 =	simm.s32 $0x4900;
	[smem:$0x7FC] =	sst s25  }
0x1e: {  	[smem:$0x7FD] =	sst s26;
	s22 =	simm.s32 $0x14100;
	s23 =	simm.s32 $0x14900  }
0x1f: {  	s24 =	simm.s32 $0x15100;
	s25 =	simm.s32 $0x15900;
	s26 =	simm.s32 $0x16100  }
0x20: {  	s7 =	sshrl.u32 s7, $0x3;
	s21 =	sadd.s32 s3, s6;
	[dreg:$0xd] =	wrdreg s5  }
0x21: {  	s6 =	simm.s32 $0x3900;
	[dreg:$0x10] =	wrdreg s8;
	s5 =	sadd.s32 $0x1200, s1  }
0x22: {  	s8 =	simm.s32 $0x100;
	s3 =	sadd.s32 s3, s7;
	[dreg:$0x5] =	wrdreg s21  }
0x23: {  	[dreg:$0xe] =	wrdreg s6;
	s7 =	simm.s32 $0x4100;
	s6 =	ssub.s32 s4, s19  }
0x24: {  	s21 =	simm.s32 $0xA900;
	s4 =	sadd.s32 $0x1100, s1;
	[dreg:$0xf] =	wrdreg s7  }
0x25: {  	v2 =	vlaneseq.u32;
	s19 =	simm.s32 $0x12900;
	s3 =	sadd.s32 $0x1800, s3;
	[dreg:$0x1c] =	wrdreg s21  }
0x26: {  	vm0 =	vmmov $0xffff;
	v1 =	vshrl.u32 v2, $0x3;
	s6 =	smax.u32 s6, $0x1;
	s7 =	simm.s32 $0x3;
	s21 =	simm.s32 $0x13900  }
0x27: {  	v0 =	vand.u32 $0x7, v2;
	v2 =	vor.u32 $0x8, v2;
	v1 =	vmul.u32 $0x8, v1;
	[dreg:$0x6] =	wrdreg s3;
	s3 =	sadd.s32 $0x1000, s1;
	s1 =	simm.s32 $0x2  }
.LBB2_1:
0x28: {  	s0 =	rddreg [dreg:$0x3]  }
0x29: {  	[tilespmem:s2], [sflag:$0x3] =	stream.linear.gather [hbm4b:s0+s2], $0x40, $0x38;
	[tilespmem:$0x18100] =	vst v63  }
0x2a: {  	_ =	swait.ge [sflag:s7], $0x40  }
0x2b: {  	s0 =	rddreg [dreg:$0x4];
	[sflag:s7] =	ssyncset.done $0x0  }
0x2c: {  	s10 =	rddreg [dreg:$0x7];
	[sflag:s7] =	ssyncadd.s32 $0xFFFFFFC0  }
0x2d: {  	[tilespmem:s10], [sflag:$0x3] =	stream.linear.gather [hbm4b:s0+s2], $0x40, $0x38;
	[tilespmem:$0x18100] =	vst v63  }
0x2e: {  	_ =	swait.ge [sflag:s7], $0x40  }
0x2f: {  	[sflag:s7] =	ssyncset.done $0x0  }
0x30: {  	s10 =	rddreg [dreg:$0x5];
	[sflag:s7] =	ssyncadd.s32 $0xFFFFFFC0  }
0x31: {  	[tilespmem:s8], [sflag:$0x3] =	stream.linear.gather [hbm4b:s10+s2], $0xC000, $0x38;
	[tilespmem:$0x18100] =	vst v63  }
0x32: {  	_ =	swait.ge [sflag:s7], $0xC000  }
0x33: {  	[sflag:s7] =	ssyncset.done $0x0  }
0x34: {  	[sflag:s7] =	ssyncadd.s32 $0xFFFF4000  }
0x35: {  	v3 =	vld [tilespmem:$0x0];
	_ =	sdelay $0x4  }
0x36: {  	v4 =	vshrl.u32 v3, $0x3  }
0x37: {  	v4 =	vmul.u32 $0x30, v4  }
0x38: {  	v3 =	vand.u32 $0x7, v3  }
0x39: {  	v3 =	vor.u32 v3, v4  }
0x3a: {  	v4 =	vperm.xlane v3, v0;
	_ =	sdelay $0x1  }
0x3b: {  	v4 =	vadd.s32 v1, v4;
	_ =	sdelay $0x3  }
0x3c: {  	v3 =	vperm.xlane v3, v2  }
0x3d: {  	[hbm4b:s3+s2] =	stream.indirect_vreg.scatter [tilespmem:s8], [sflag:$0x1], $0x80, v4, vm0, $0xb8;
	[tilespmem:$0x18100] =	vst v63  }
0x3e: {  	s0 =	rddreg [dreg:$0x8];
	v3 =	vadd.s32 v1, v3  }
0x3f: {  	[hbm4b:s4+s2] =	stream.indirect_vreg.scatter [tilespmem:s0], [sflag:$0x1], $0x80, v4, vm0, $0xb8;
	[tilespmem:$0x18100] =	vst v63  }
0x40: {  	s10 =	rddreg [dreg:$0x9]  }
0x41: {  	[hbm4b:s5+s2] =	stream.indirect_vreg.scatter [tilespmem:s10], [sflag:$0x1], $0x80, v4, vm0, $0xb8;
	[tilespmem:$0x18100] =	vst v63  }
0x42: {  	s0 =	rddreg [dreg:$0xa]  }
0x43: {  	[hbm4b:s3+s2] =	stream.indirect_vreg.scatter [tilespmem:s0], [sflag:$0x1], $0x80, v3, vm0, $0xb8;
	[tilespmem:$0x18100] =	vst v63  }
0x44: {  	s10 =	rddreg [dreg:$0xb]  }
0x45: {  	[hbm4b:s4+s2] =	stream.indirect_vreg.scatter [tilespmem:s10], [sflag:$0x1], $0x80, v3, vm0, $0xb8;
	[tilespmem:$0x18100] =	vst v63  }
0x46: {  	s0 =	rddreg [dreg:$0xc]  }
0x47: {  	[hbm4b:s5+s2] =	stream.indirect_vreg.scatter [tilespmem:s0], [sflag:$0x1], $0x80, v3, vm0, $0xb8;
	[tilespmem:$0x18100] =	vst v63  }
0x48: {  	v3 =	vld [tilespmem:$0x10];
	_ =	sdelay $0x4  }
0x49: {  	v57 =	vshrl.u32 v3, $0x3  }
0x4a: {  	v4 =	vmul.u32 $0x30, v57  }
0x4b: {  	v3 =	vand.u32 $0x7, v3  }
0x4c: {  	v3 =	vor.u32 v3, v4  }
0x4d: {  	v4 =	vperm.xlane v3, v0;
	_ =	sdelay $0x1  }
0x4e: {  	v4 =	vadd.s32 v1, v4;
	_ =	sdelay $0x3  }
0x4f: {  	s0 =	rddreg [dreg:$0xd];
	v3 =	vperm.xlane v3, v2  }
0x50: {  	[hbm4b:s3+s2] =	stream.indirect_vreg.scatter [tilespmem:s0], [sflag:$0x1], $0x80, v4, vm0, $0xb8;
	[tilespmem:$0x18100] =	vst v63  }
0x51: {  	s10 =	rddreg [dreg:$0xe];
	v3 =	vadd.s32 v1, v3  }
0x52: {  	[hbm4b:s4+s2] =	stream.indirect_vreg.scatter [tilespmem:s10], [sflag:$0x1], $0x80, v4, vm0, $0xb8;
	[tilespmem:$0x18100] =	vst v63  }
0x53: {  	s0 =	rddreg [dreg:$0xf]  }
0x54: {  	[hbm4b:s5+s2] =	stream.indirect_vreg.scatter [tilespmem:s0], [sflag:$0x1], $0x80, v4, vm0, $0xb8;
	[tilespmem:$0x18100] =	vst v63  }
0x55: {  	s10 =	rddreg [dreg:$0x10]  }
0x56: {  	[hbm4b:s3+s2] =	stream.indirect_vreg.scatter [tilespmem:s10], [sflag:$0x1], $0x80, v3, vm0, $0xb8;
	[tilespmem:$0x18100] =	vst v63  }
0x57: {  	s0 =	rddreg [dreg:$0x11]  }
0x58: {  	[hbm4b:s4+s2] =	stream.indirect_vreg.scatter [tilespmem:s0], [sflag:$0x1], $0x80, v3, vm0, $0xb8;
	[tilespmem:$0x18100] =	vst v63  }
0x59: {  	s10 =	rddreg [dreg:$0x12]  }
0x5a: {  	[hbm4b:s5+s2] =	stream.indirect_vreg.scatter [tilespmem:s10], [sflag:$0x1], $0x80, v3, vm0, $0xb8;
	[tilespmem:$0x18100] =	vst v63  }
0x5b: {  	v3 =	vld [tilespmem:$0x20];
	_ =	sdelay $0x4  }
0x5c: {  	v58 =	vshrl.u32 v3, $0x3  }
0x5d: {  	v4 =	vmul.u32 $0x30, v58  }
0x5e: {  	v3 =	vand.u32 $0x7, v3  }
0x5f: {  	v3 =	vor.u32 v3, v4  }
0x60: {  	v4 =	vperm.xlane v3, v0;
	_ =	sdelay $0x1  }
0x61: {  	v4 =	vadd.s32 v1, v4;
	_ =	sdelay $0x3  }
0x62: {  	s0 =	rddreg [dreg:$0x13];
	v3 =	vperm.xlane v3, v2  }
0x63: {  	[hbm4b:s3+s2] =	stream.indirect_vreg.scatter [tilespmem:s0], [sflag:$0x1], $0x80, v4, vm0, $0xb8;
	[tilespmem:$0x18100] =	vst v63  }
0x64: {  	s10 =	rddreg [dreg:$0x14];
	v3 =	vadd.s32 v1, v3  }
0x65: {  	[hbm4b:s4+s2] =	stream.indirect_vreg.scatter [tilespmem:s10], [sflag:$0x1], $0x80, v4, vm0, $0xb8;
	[tilespmem:$0x18100] =	vst v63  }
0x66: {  	s0 =	rddreg [dreg:$0x15]  }
0x67: {  	[hbm4b:s5+s2] =	stream.indirect_vreg.scatter [tilespmem:s0], [sflag:$0x1], $0x80, v4, vm0, $0xb8;
	[tilespmem:$0x18100] =	vst v63  }
0x68: {  	s10 =	rddreg [dreg:$0x16]  }
0x69: {  	[hbm4b:s3+s2] =	stream.indirect_vreg.scatter [tilespmem:s10], [sflag:$0x1], $0x80, v3, vm0, $0xb8;
	[tilespmem:$0x18100] =	vst v63  }
0x6a: {  	s0 =	rddreg [dreg:$0x17]  }
0x6b: {  	[hbm4b:s4+s2] =	stream.indirect_vreg.scatter [tilespmem:s0], [sflag:$0x1], $0x80, v3, vm0, $0xb8;
	[tilespmem:$0x18100] =	vst v63  }
0x6c: {  	s10 =	rddreg [dreg:$0x18]  }
0x6d: {  	[hbm4b:s5+s2] =	stream.indirect_vreg.scatter [tilespmem:s10], [sflag:$0x1], $0x80, v3, vm0, $0xb8;
	[tilespmem:$0x18100] =	vst v63  }
0x6e: {  	v3 =	vld [tilespmem:$0x30];
	_ =	sdelay $0x4  }
0x6f: {  	v59 =	vshrl.u32 v3, $0x3  }
0x70: {  	v4 =	vmul.u32 $0x30, v59  }
0x71: {  	v3 =	vand.u32 $0x7, v3  }
0x72: {  	v3 =	vor.u32 v3, v4  }
0x73: {  	v4 =	vperm.xlane v3, v0;
	_ =	sdelay $0x1  }
0x74: {  	v4 =	vadd.s32 v1, v4;
	_ =	sdelay $0x3  }
0x75: {  	s0 =	rddreg [dreg:$0x19];
	v3 =	vperm.xlane v3, v2  }
0x76: {  	[hbm4b:s3+s2] =	stream.indirect_vreg.scatter [tilespmem:s0], [sflag:$0x1], $0x80, v4, vm0, $0xb8;
	[tilespmem:$0x18100] =	vst v63  }
0x77: {  	s10 =	rddreg [dreg:$0x1a];
	v3 =	vadd.s32 v1, v3  }
0x78: {  	[hbm4b:s4+s2] =	stream.indirect_vreg.scatter [tilespmem:s10], [sflag:$0x1], $0x80, v4, vm0, $0xb8;
	[tilespmem:$0x18100] =	vst v63  }
0x79: {  	s0 =	rddreg [dreg:$0x1b]  }
0x7a: {  	[hbm4b:s5+s2] =	stream.indirect_vreg.scatter [tilespmem:s0], [sflag:$0x1], $0x80, v4, vm0, $0xb8;
	[tilespmem:$0x18100] =	vst v63  }
0x7b: {  	s10 =	rddreg [dreg:$0x1c]  }
0x7c: {  	[hbm4b:s3+s2] =	stream.indirect_vreg.scatter [tilespmem:s10], [sflag:$0x1], $0x80, v3, vm0, $0xb8;
	[tilespmem:$0x18100] =	vst v63  }
0x7d: {  	s0 =	rddreg [dreg:$0x1d]  }
0x7e: {  	[hbm4b:s4+s2] =	stream.indirect_vreg.scatter [tilespmem:s0], [sflag:$0x1], $0x80, v3, vm0, $0xb8;
	[tilespmem:$0x18100] =	vst v63  }
0x7f: {  	s10 =	rddreg [dreg:$0x1e]  }
0x80: {  	[hbm4b:s5+s2] =	stream.indirect_vreg.scatter [tilespmem:s10], [sflag:$0x1], $0x80, v3, vm0, $0xb8;
	[tilespmem:$0x18100] =	vst v63  }
0x81: {  	s0 =	rddreg [dreg:$0x6]  }
0x82: {  	[tilespmem:s9], [sflag:$0x3] =	stream.linear.gather [hbm4b:s0+s2], $0xC000, $0x38;
	[tilespmem:$0x18100] =	vst v63  }
0x83: {  	_ =	swait.ge [sflag:s7], $0xC000  }
0x84: {  	[sflag:s7] =	ssyncset.done $0x0  }
0x85: {  	[sflag:s7] =	ssyncadd.s32 $0xFFFF4000  }
0x86: {  	v3 =	vld [tilespmem:$0x80];
	_ =	sdelay $0x4  }
0x87: {  	v60 =	vshrl.u32 v3, $0x3  }
0x88: {  	v4 =	vmul.u32 $0x30, v60  }
0x89: {  	v3 =	vand.u32 $0x7, v3  }
0x8a: {  	v3 =	vor.u32 v3, v4  }
0x8b: {  	v4 =	vperm.xlane v3, v0;
	_ =	sdelay $0x1  }
0x8c: {  	v4 =	vadd.s32 v1, v4;
	_ =	sdelay $0x3  }
0x8d: {  	s0 =	rddreg [dreg:$0x1f];
	v3 =	vperm.xlane v3, v2  }
0x8e: {  	[hbm4b:s3+s2] =	stream.indirect_vreg.scatter [tilespmem:s9], [sflag:$0x2], $0x80, v4, vm0, $0xb8;
	[tilespmem:$0x18100] =	vst v63  }
0x8f: {  	s10 =	sld [smem:$0x7FC];
	v3 =	vadd.s32 v1, v3  }
0x90: {  	[hbm4b:s4+s2] =	stream.indirect_vreg.scatter [tilespmem:s0], [sflag:$0x2], $0x80, v4, vm0, $0xb8;
	[tilespmem:$0x18100] =	vst v63  }
0x91: {  	s0 =	sld [smem:$0x7FD]  }
0x92: {  	[hbm4b:s5+s2] =	stream.indirect_vreg.scatter [tilespmem:s10], [sflag:$0x2], $0x80, v4, vm0, $0xb8;
	[tilespmem:$0x18100] =	vst v63  }
0x93: {  	_ = 	snop  }
0x94: {  	[hbm4b:s3+s2] =	stream.indirect_vreg.scatter [tilespmem:s0], [sflag:$0x2], $0x80, v3, vm0, $0xb8;
	[tilespmem:$0x18100] =	vst v63  }
0x95: {  	s10 =	simm.s32 $0xE100  }
0x96: {  	[hbm4b:s4+s2] =	stream.indirect_vreg.scatter [tilespmem:s10], [sflag:$0x2], $0x80, v3, vm0, $0xb8;
	[tilespmem:$0x18100] =	vst v63  }
0x97: {  	_ = 	snop  }
0x98: {  	[hbm4b:s5+s2] =	stream.indirect_vreg.scatter [tilespmem:s11], [sflag:$0x2], $0x80, v3, vm0, $0xb8;
	[tilespmem:$0x18100] =	vst v63  }
0x99: {  	v3 =	vld [tilespmem:$0x90];
	_ =	sdelay $0x4  }
0x9a: {  	v61 =	vshrl.u32 v3, $0x3  }
0x9b: {  	v4 =	vmul.u32 $0x30, v61  }
0x9c: {  	v3 =	vand.u32 $0x7, v3  }
0x9d: {  	v3 =	vor.u32 v3, v4  }
0x9e: {  	v4 =	vperm.xlane v3, v0;
	_ =	sdelay $0x1  }
0x9f: {  	v4 =	vadd.s32 v1, v4;
	_ =	sdelay $0x3  }
0xa0: {  	v3 =	vperm.xlane v3, v2  }
0xa1: {  	[hbm4b:s3+s2] =	stream.indirect_vreg.scatter [tilespmem:s12], [sflag:$0x2], $0x80, v4, vm0, $0xb8;
	[tilespmem:$0x18100] =	vst v63  }
0xa2: {  	v3 =	vadd.s32 v1, v3  }
0xa3: {  	[hbm4b:s4+s2] =	stream.indirect_vreg.scatter [tilespmem:s13], [sflag:$0x2], $0x80, v4, vm0, $0xb8;
	[tilespmem:$0x18100] =	vst v63  }
0xa4: {  	_ = 	snop  }
0xa5: {  	[hbm4b:s5+s2] =	stream.indirect_vreg.scatter [tilespmem:s14], [sflag:$0x2], $0x80, v4, vm0, $0xb8;
	[tilespmem:$0x18100] =	vst v63  }
0xa6: {  	_ = 	snop  }
0xa7: {  	[hbm4b:s3+s2] =	stream.indirect_vreg.scatter [tilespmem:s15], [sflag:$0x2], $0x80, v3, vm0, $0xb8;
	[tilespmem:$0x18100] =	vst v63  }
0xa8: {  	_ = 	snop  }
0xa9: {  	[hbm4b:s4+s2] =	stream.indirect_vreg.scatter [tilespmem:s16], [sflag:$0x2], $0x80, v3, vm0, $0xb8;
	[tilespmem:$0x18100] =	vst v63  }
0xaa: {  	_ = 	snop  }
0xab: {  	[hbm4b:s5+s2] =	stream.indirect_vreg.scatter [tilespmem:s17], [sflag:$0x2], $0x80, v3, vm0, $0xb8;
	[tilespmem:$0x18100] =	vst v63  }
0xac: {  	v3 =	vld [tilespmem:$0xA0];
	_ =	sdelay $0x4  }
0xad: {  	v62 =	vshrl.u32 v3, $0x3  }
0xae: {  	v4 =	vmul.u32 $0x30, v62  }
0xaf: {  	v3 =	vand.u32 $0x7, v3  }
0xb0: {  	v3 =	vor.u32 v3, v4  }
0xb1: {  	v4 =	vperm.xlane v3, v0;
	_ =	sdelay $0x1  }
0xb2: {  	v4 =	vadd.s32 v1, v4;
	_ =	sdelay $0x3  }
0xb3: {  	v3 =	vperm.xlane v3, v2  }
0xb4: {  	[hbm4b:s3+s2] =	stream.indirect_vreg.scatter [tilespmem:s18], [sflag:$0x2], $0x80, v4, vm0, $0xb8;
	[tilespmem:$0x18100] =	vst v63  }
0xb5: {  	v3 =	vadd.s32 v1, v3  }
0xb6: {  	[hbm4b:s4+s2] =	stream.indirect_vreg.scatter [tilespmem:s19], [sflag:$0x2], $0x80, v4, vm0, $0xb8;
	[tilespmem:$0x18100] =	vst v63  }
0xb7: {  	_ = 	snop  }
0xb8: {  	[hbm4b:s5+s2] =	stream.indirect_vreg.scatter [tilespmem:s20], [sflag:$0x2], $0x80, v4, vm0, $0xb8;
	[tilespmem:$0x18100] =	vst v63  }
0xb9: {  	_ = 	snop  }
0xba: {  	[hbm4b:s3+s2] =	stream.indirect_vreg.scatter [tilespmem:s21], [sflag:$0x2], $0x80, v3, vm0, $0xb8;
	[tilespmem:$0x18100] =	vst v63  }
0xbb: {  	_ = 	snop  }
0xbc: {  	[hbm4b:s4+s2] =	stream.indirect_vreg.scatter [tilespmem:s22], [sflag:$0x2], $0x80, v3, vm0, $0xb8;
	[tilespmem:$0x18100] =	vst v63  }
0xbd: {  	_ = 	snop  }
0xbe: {  	[hbm4b:s5+s2] =	stream.indirect_vreg.scatter [tilespmem:s23], [sflag:$0x2], $0x80, v3, vm0, $0xb8;
	[tilespmem:$0x18100] =	vst v63  }
0xbf: {  	v3 =	vld [tilespmem:$0xB0];
	_ =	sdelay $0x4  }
0xc0: {  	v63 =	vshrl.u32 v3, $0x3  }
0xc1: {  	v4 =	vmul.u32 $0x30, v63  }
0xc2: {  	v3 =	vand.u32 $0x7, v3  }
0xc3: {  	v3 =	vor.u32 v3, v4  }
0xc4: {  	v4 =	vperm.xlane v3, v0;
	_ =	sdelay $0x1  }
0xc5: {  	v4 =	vadd.s32 v1, v4;
	_ =	sdelay $0x3  }
0xc6: {  	v3 =	vperm.xlane v3, v2  }
0xc7: {  	[hbm4b:s3+s2] =	stream.indirect_vreg.scatter [tilespmem:s24], [sflag:$0x2], $0x80, v4, vm0, $0xb8;
	[tilespmem:$0x18100] =	vst v63  }
0xc8: {  	v3 =	vadd.s32 v1, v3  }
0xc9: {  	[hbm4b:s4+s2] =	stream.indirect_vreg.scatter [tilespmem:s25], [sflag:$0x2], $0x80, v4, vm0, $0xb8;
	[tilespmem:$0x18100] =	vst v63  }
0xca: {  	_ = 	snop  }
0xcb: {  	[hbm4b:s5+s2] =	stream.indirect_vreg.scatter [tilespmem:s26], [sflag:$0x2], $0x80, v4, vm0, $0xb8;
	[tilespmem:$0x18100] =	vst v63  }
0xcc: {  	_ = 	snop  }
0xcd: {  	[hbm4b:s3+s2] =	stream.indirect_vreg.scatter [tilespmem:s28], [sflag:$0x2], $0x80, v3, vm0, $0xb8;
	[tilespmem:$0x18100] =	vst v63  }
0xce: {  	_ = 	snop  }
0xcf: {  	[hbm4b:s4+s2] =	stream.indirect_vreg.scatter [tilespmem:s29], [sflag:$0x2], $0x80, v3, vm0, $0xb8;
	[tilespmem:$0x18100] =	vst v63  }
0xd0: {  	_ = 	snop  }
0xd1: {  	[hbm4b:s5+s2] =	stream.indirect_vreg.scatter [tilespmem:s30], [sflag:$0x2], $0x80, v3, vm0, $0xb8;
	[tilespmem:$0x18100] =	vst v63  }
0xd2: {  	p0 =	sne.s32 s6, $0x1;
	_ =	swait.ge [sflag:s31], $0xC000  }
.Ltmp0:
0xd3: {  	[sflag:s31] =	ssyncset.done $0x0;
	(pc) =	sbr.rel @p0 .LBB2_1-.Ltmp0, $4  }
0xd4: {  	[sflag:s31] =	ssyncadd.s32 $0xFFFF4000  }
0xd5: {  	_ =	swait.ge [sflag:s1], $0xC000  }
0xd6: {  	[sflag:s1] =	ssyncset.done $0x0  }
0xd7: {  	s6 =	sadd.s32 $0xFFFFFFFF, s6;
	[sflag:s1] =	ssyncadd.s32 $0xFFFF4000  }
0xd8: {  	_ =	sfence.sel $0x180000  }
0xd9: {  	[bflag:$0x0] =	sbarrier.arrive $0xFFFF  }
0xda: {  	_ =	strace $0x90000047  }
0xdb: {  	s0 =	stileid.u32;
	[bflag:$0x2] =	sbarrier.arrive $0xFFFF  }
0xdc: {  	p0 =	sne.s32 s0, $0x0;
	s0 =	rddreg [dreg:$0x2]  }
0xdd: {  	s0 =	sadd.s32 @!p0 $0x100000, s0  }
0xde: {  	[sflag:s0] =	ssyncadd.tile.s32 @!p0 $0x1;
	_ =	shalt  }
.Lfunc_end2:
_tile_overlayer_lowered:
.L_overlay_start_2:
0xdf: {  	(tag) =	ssettag $0x2  }
0xe0: {  	s0 =	rddreg [dreg:$0x0];
	s2 =	stileid.u32  }
0xe1: {  	s1 =	rddreg [dreg:$0x1];
	p0 =	sne.s32 s2, $0x0  }
0xe2: {  	s3 =	rddreg [dreg:$0x2];
	[bflag:$0x3] =	sbarrier.arrive $0xFFFF;
	s2 =	simm.s32 @!p0 $0x1C03  }
0xe3: {  	[timem:s3], [sflag:s2] =	dma.local @!p0 [hbm:s0], s1  }
0xe4: {  	s0 =	simm.s32 @!p0 $0x3  }
0xe5: {  	_ =	swait.ge @!p0 [sflag:s0], s1  }
0xe6: {  	s1 =	ssub.s32 @!p0 $0x0, s1;
	[sflag:s0] =	ssyncset.done @!p0 $0x0  }
0xe7: {  	[sflag:s0] =	ssyncadd.s32 @!p0 s1  }
0xe8: {  	[bflag:$0x3] =	sbarrier.arrive $0xFFFF  }
0xe9: {  	_ =	shalt  }

</sc_bundles>
